<compile_context>
chip_gen: v7x
topology: tpu7x:2x2x1
jax: 0.10.2.dev20260603
libtpu: 0.0.44.dev20260713+nightly
codegen_flags: <defaults>
</compile_context>

<pallas_src>
import functools

import jax
import jax.numpy as jnp
from jax import lax
from jax.experimental import pallas as pl
from jax.experimental.pallas import tpu as pltpu
from jax.experimental.pallas import tpu_sc as plsc

HID = 64
NB = 4096
SEQ = 200
NC = 2
NS = 16
NW = NC * NS
BPW = NB // NW
S0 = 104
EPS = 1e-12


def _rsqrt(x):
    i = lax.bitcast_convert_type(x, jnp.int32)
    i = jnp.int32(0x5F3759DF) - (i >> 1)
    y = lax.bitcast_convert_type(i, jnp.float32)
    for _ in range(3):
        y = y * (1.5 - 0.5 * x * y * y)
    return y


def _fire_gather(tab, idx2, rows, sem, c):
    for lo, ln in ((0, S0), (S0, SEQ - S0)):
        pltpu.async_copy(
            tab.at[idx2.at[c, pl.ds(lo, ln)]],
            rows.at[pl.ds(lo, ln)],
            sem,
        )


def _wait_gather(tab, idx2, rows, sem, c):
    for lo, ln in ((0, S0), (S0, SEQ - S0)):
        pltpu.make_async_copy(
            tab.at[idx2.at[c, pl.ds(lo, ln)]],
            rows.at[pl.ds(lo, ln)],
            sem,
        ).wait()


def _fire_scatter(z1d, out, sem, b):
    pltpu.async_copy(z1d, out.at[pl.ds(b * SEQ * HID, SEQ * HID)], sem)


def _wait_scatter(z1d, out, sem, b):
    pltpu.make_async_copy(
        z1d, out.at[pl.ds(b * SEQ * HID, SEQ * HID)], sem
    ).wait()


def _compute_chunk(rows, z1d, pos_v, w4, b4):

    @plsc.parallel_loop(0, SEQ, 1, unroll=4)
    def _row(r):
        h = []
        for k in range(4):
            a = rows[r, pl.ds(k * 16, 16)]
            p = pos_v[r, pl.ds(k * 16, 16)]
            h.append(a + p)
        tot = (h[0] + h[1]) + (h[2] + h[3])
        su = jnp.sum(tot)
        sq = (h[0] * h[0] + h[1] * h[1]) + (h[2] * h[2] + h[3] * h[3])
        ssq = jnp.sum(sq)
        u = su * (1.0 / HID)
        var = ssq * (1.0 / HID) - u * u
        rinv = _rsqrt(jnp.maximum(var, 0.0) + EPS)
        for k in range(4):
            z = (h[k] - u) * rinv
            z1d[pl.ds(r * HID + k * 16, 16)] = z * w4[k] + b4[k]


def _body(
    x_hbm,
    tab,
    pos_hbm,
    w_hbm,
    b_hbm,
    out,
    idx2,
    pos_v,
    rows_a,
    rows_b,
    za,
    zb,
    wv,
    bv,
    gsa,
    gsb,
    osa,
    osb,
):
    wid = lax.axis_index("s") * NC + lax.axis_index("c")
    b0 = wid * BPW
    pltpu.sync_copy(x_hbm.at[pl.ds(b0, BPW)], idx2)
    pltpu.sync_copy(pos_hbm.at[pl.ds(0, SEQ)], pos_v)
    pltpu.sync_copy(w_hbm, wv)
    pltpu.sync_copy(b_hbm, bv)
    w4 = [wv[pl.ds(k * 16, 16)] for k in range(4)]
    b4 = [bv[pl.ds(k * 16, 16)] for k in range(4)]
    _fire_gather(tab, idx2, rows_a, gsa, 0)

    @pl.loop(0, BPW // 2)
    def _pair(cc):
        c0 = cc * 2
        c1 = c0 + 1

        @pl.when(cc > 0)
        def _():
            _wait_scatter(zb, out, osb, b0 + c1 - 2)

        _fire_gather(tab, idx2, rows_b, gsb, c1)
        _wait_gather(tab, idx2, rows_a, gsa, c0)
        _compute_chunk(rows_a, za, pos_v, w4, b4)
        _fire_scatter(za, out, osa, b0 + c0)

        @pl.when(cc < BPW // 2 - 1)
        def _():
            _wait_scatter(za, out, osa, b0 + c0)
            _fire_gather(tab, idx2, rows_a, gsa, c0 + 2)

        _wait_gather(tab, idx2, rows_b, gsb, c1)
        _compute_chunk(rows_b, zb, pos_v, w4, b4)
        _fire_scatter(zb, out, osb, b0 + c1)

    _wait_scatter(za, out, osa, b0 + BPW - 2)
    _wait_scatter(zb, out, osb, b0 + BPW - 1)


def kernel(x, alphabet_table, position_table, ln_weight, ln_bias):
    nb, seq = x.shape
    hid = alphabet_table.shape[1]
    assert (nb, seq, hid) == (NB, SEQ, HID)
    run = pl.kernel(
        _body,
        out_type=jax.ShapeDtypeStruct((NB * SEQ * HID,), jnp.float32),
        mesh=plsc.VectorSubcoreMesh(core_axis_name="c", subcore_axis_name="s"),
        compiler_params=pltpu.CompilerParams(
            use_tc_tiling_on_sc=False, needs_layout_passes=False
        ),
        scratch_types=[
            pltpu.VMEM((BPW, SEQ), jnp.int32),
            pltpu.VMEM((SEQ, HID), jnp.float32),
            pltpu.VMEM((SEQ, HID), jnp.float32),
            pltpu.VMEM((SEQ, HID), jnp.float32),
            pltpu.VMEM((SEQ * HID,), jnp.float32),
            pltpu.VMEM((SEQ * HID,), jnp.float32),
            pltpu.VMEM((HID,), jnp.float32),
            pltpu.VMEM((HID,), jnp.float32),
            pltpu.SemaphoreType.DMA,
            pltpu.SemaphoreType.DMA,
            pltpu.SemaphoreType.DMA,
            pltpu.SemaphoreType.DMA,
        ],
    )
    out = run(x, alphabet_table, position_table, ln_weight, ln_bias)
    return out.reshape(NB, SEQ, HID)


kernel = jax.jit(kernel)

# --- scband reference (transcript-rebuilt; emitter-appended) ---
"""Pipeline reference for scband-alphabet-embedding-56246891709125 (READ-ONLY COPY).

The authoritative reference and input builder live on the scoring server;
editing this copy changes nothing except your own understanding.
"""

import jax, jax.numpy as jnp
import numpy as np

VOCAB = 100000
MAX_POS = 512
HID = 64
B = 4096
S = 200
EPS = 1e-12


def setup_inputs(seed: int = 0) -> dict:
    key = jax.random.key(seed)
    k1, k2, k3 = jax.random.split(key, 3)
    x = jax.random.randint(k1, (B, S), 0, VOCAB, dtype=jnp.int64) if jax.config.jax_enable_x64 else jax.random.randint(k1, (B, S), 0, VOCAB, dtype=jnp.int32)
    alphabet_table = jax.random.normal(k2, (VOCAB, HID), dtype=jnp.float32) * 0.02
    position_table = jax.random.normal(k3, (MAX_POS, HID), dtype=jnp.float32) * 0.02
    ln_weight = jnp.ones((HID,), dtype=jnp.float32)
    ln_bias = jnp.zeros((HID,), dtype=jnp.float32)
    return {
        "x": x,
        "alphabet_table": alphabet_table,
        "position_table": position_table,
        "ln_weight": ln_weight,
        "ln_bias": ln_bias,
    }


def _layernorm(h, weight, bias):
    u = jnp.mean(h, axis=-1, keepdims=True)
    s = jnp.mean((h - u) ** 2, axis=-1, keepdims=True)
    h = (h - u) / jnp.sqrt(s + EPS)
    return weight * h + bias


def reference(x, alphabet_table, position_table, ln_weight, ln_bias):
    seq_length = x.shape[1]
    position_ids = jnp.arange(seq_length, dtype=x.dtype)
    position_ids = jnp.broadcast_to(position_ids[None, :], x.shape)
    alphabet_embeddings = jnp.take(alphabet_table, x, axis=0)
    position_embeddings = jnp.take(position_table, position_ids, axis=0)
    embeddings = alphabet_embeddings + position_embeddings
    embeddings = _layernorm(embeddings, ln_weight, ln_bias)
    # dropout prob = 0.0 -> identity
    return embeddings

if __name__ == "__main__":
    import jax
    _d = setup_inputs()
    print(jax.jit(kernel)(*tuple(_d.values())))

</pallas_src>

<mosaic_0001>
#map = affine_map<(d0, d1) -> (0, 0)>
#map1 = affine_map<(d0, d1) -> (0)>
module attributes {stable_mosaic.version = 14 : i64} {
  func.func @_body(%arg0: i32, %arg1: i32, %arg2: memref<4096x200xi32, #tpu.memory_space<hbm>>, %arg3: memref<100000x64xf32, #tpu.memory_space<hbm>>, %arg4: memref<512x64xf32, #tpu.memory_space<hbm>>, %arg5: memref<64xf32, #tpu.memory_space<hbm>>, %arg6: memref<64xf32, #tpu.memory_space<hbm>>, %arg7: memref<52428800xf32, #tpu.memory_space<hbm>>, %arg8: memref<128x200xi32, #tpu.memory_space<vmem>>, %arg9: memref<200x64xf32, #tpu.memory_space<vmem>>, %arg10: memref<200x64xf32, #tpu.memory_space<vmem>>, %arg11: memref<200x64xf32, #tpu.memory_space<vmem>>, %arg12: memref<12800xf32, #tpu.memory_space<vmem>>, %arg13: memref<12800xf32, #tpu.memory_space<vmem>>, %arg14: memref<64xf32, #tpu.memory_space<vmem>>, %arg15: memref<64xf32, #tpu.memory_space<vmem>>, %arg16: memref<!tpu.dma_semaphore, #tpu.memory_space<semaphore_mem>>, %arg17: memref<!tpu.dma_semaphore, #tpu.memory_space<semaphore_mem>>, %arg18: memref<!tpu.dma_semaphore, #tpu.memory_space<semaphore_mem>>, %arg19: memref<!tpu.dma_semaphore, #tpu.memory_space<semaphore_mem>>) attributes {dimension_semantics = [#tpu.dimension_semantics<core_parallel>, #tpu.dimension_semantics<subcore_parallel>], iteration_bounds = array<i64: 2, 16>, scalar_prefetch = 0 : i64, scratch_operands = 12 : i64, tpu.core_type = #tpu.core_type<sc_vector_subcore>, window_params = [{transform_indices = #map}, {transform_indices = #map}, {transform_indices = #map}, {transform_indices = #map1}, {transform_indices = #map1}, {transform_indices = #map1}]} {
    %mul3A = arith.constant 2 : i32
    %mul3A_0 = arith.muli %arg1, %mul3A : i32
    %add3A = arith.addi %mul3A_0, %arg0 : i32
    %mul3A_1 = arith.constant 128 : i32
    %mul3A_2 = arith.muli %add3A, %mul3A_1 : i32
    "tpu.region"() ({
      %run_scoped3A = tpu.sem_alloc : memref<!tpu.dma_semaphore, #tpu.memory_space<semaphore_mem>>
      %dma_start3A_59 = arith.constant 0 : i32
      %dma_start3A_60 = tpu.memref_slice %arg2[%mul3A_2, %dma_start3A_59] : memref<4096x200xi32, #tpu.memory_space<hbm>> -> memref<128x200xi32, #tpu.memory_space<hbm>>
      %dma_start3A_61 = arith.constant 0 : i32
      %dma_start3A_62 = tpu.memref_slice %arg2[%mul3A_2, %dma_start3A_61] : memref<4096x200xi32, #tpu.memory_space<hbm>> -> memref<128x200xi32, #tpu.memory_space<hbm>>
      tpu.enqueue_dma source(%dma_start3A_62 : memref<128x200xi32, #tpu.memory_space<hbm>>) target(%arg8 : memref<128x200xi32, #tpu.memory_space<vmem>>) target_semaphore(%run_scoped3A : memref<!tpu.dma_semaphore, #tpu.memory_space<semaphore_mem>>)
      %dma_wait3A_63 = arith.constant 0 : i32
      %dma_wait3A_64 = tpu.memref_slice %arg2[%mul3A_2, %dma_wait3A_63] : memref<4096x200xi32, #tpu.memory_space<hbm>> -> memref<128x200xi32, #tpu.memory_space<hbm>>
      %dma_wait3A_65 = arith.constant 0 : i32
      %dma_wait3A_66 = tpu.memref_slice %arg2[%mul3A_2, %dma_wait3A_65] : memref<4096x200xi32, #tpu.memory_space<hbm>> -> memref<128x200xi32, #tpu.memory_space<hbm>>
      tpu.wait_dma2 semaphore(%run_scoped3A : memref<!tpu.dma_semaphore, #tpu.memory_space<semaphore_mem>>) src(%dma_wait3A_66 : memref<128x200xi32, #tpu.memory_space<hbm>>) dst(%arg8 : memref<128x200xi32, #tpu.memory_space<vmem>>)
      tpu.yield
    }) : () -> ()
    "tpu.region"() ({
      %run_scoped3A = tpu.sem_alloc : memref<!tpu.dma_semaphore, #tpu.memory_space<semaphore_mem>>
      %dma_start3A_59 = arith.constant 0 : i32
      %dma_start3A_60 = arith.constant 0 : i32
      %dma_start3A_61 = tpu.memref_slice %arg4[%dma_start3A_59, %dma_start3A_60] : memref<512x64xf32, #tpu.memory_space<hbm>> -> memref<200x64xf32, #tpu.memory_space<hbm>>
      %dma_start3A_62 = arith.constant 0 : i32
      %dma_start3A_63 = arith.constant 0 : i32
      %dma_start3A_64 = tpu.memref_slice %arg4[%dma_start3A_62, %dma_start3A_63] : memref<512x64xf32, #tpu.memory_space<hbm>> -> memref<200x64xf32, #tpu.memory_space<hbm>>
      tpu.enqueue_dma source(%dma_start3A_64 : memref<200x64xf32, #tpu.memory_space<hbm>>) target(%arg9 : memref<200x64xf32, #tpu.memory_space<vmem>>) target_semaphore(%run_scoped3A : memref<!tpu.dma_semaphore, #tpu.memory_space<semaphore_mem>>)
      %dma_wait3A_65 = arith.constant 0 : i32
      %dma_wait3A_66 = arith.constant 0 : i32
      %dma_wait3A_67 = tpu.memref_slice %arg4[%dma_wait3A_65, %dma_wait3A_66] : memref<512x64xf32, #tpu.memory_space<hbm>> -> memref<200x64xf32, #tpu.memory_space<hbm>>
      %dma_wait3A_68 = arith.constant 0 : i32
      %dma_wait3A_69 = arith.constant 0 : i32
      %dma_wait3A_70 = tpu.memref_slice %arg4[%dma_wait3A_68, %dma_wait3A_69] : memref<512x64xf32, #tpu.memory_space<hbm>> -> memref<200x64xf32, #tpu.memory_space<hbm>>
      tpu.wait_dma2 semaphore(%run_scoped3A : memref<!tpu.dma_semaphore, #tpu.memory_space<semaphore_mem>>) src(%dma_wait3A_70 : memref<200x64xf32, #tpu.memory_space<hbm>>) dst(%arg9 : memref<200x64xf32, #tpu.memory_space<vmem>>)
      tpu.yield
    }) : () -> ()
    "tpu.region"() ({
      %run_scoped3A = tpu.sem_alloc : memref<!tpu.dma_semaphore, #tpu.memory_space<semaphore_mem>>
      tpu.enqueue_dma source(%arg5 : memref<64xf32, #tpu.memory_space<hbm>>) target(%arg14 : memref<64xf32, #tpu.memory_space<vmem>>) target_semaphore(%run_scoped3A : memref<!tpu.dma_semaphore, #tpu.memory_space<semaphore_mem>>)
      tpu.wait_dma2 semaphore(%run_scoped3A : memref<!tpu.dma_semaphore, #tpu.memory_space<semaphore_mem>>) src(%arg5 : memref<64xf32, #tpu.memory_space<hbm>>) dst(%arg14 : memref<64xf32, #tpu.memory_space<vmem>>)
      tpu.yield
    }) : () -> ()
    "tpu.region"() ({
      %run_scoped3A = tpu.sem_alloc : memref<!tpu.dma_semaphore, #tpu.memory_space<semaphore_mem>>
      tpu.enqueue_dma source(%arg6 : memref<64xf32, #tpu.memory_space<hbm>>) target(%arg15 : memref<64xf32, #tpu.memory_space<vmem>>) target_semaphore(%run_scoped3A : memref<!tpu.dma_semaphore, #tpu.memory_space<semaphore_mem>>)
      tpu.wait_dma2 semaphore(%run_scoped3A : memref<!tpu.dma_semaphore, #tpu.memory_space<semaphore_mem>>) src(%arg6 : memref<64xf32, #tpu.memory_space<hbm>>) dst(%arg15 : memref<64xf32, #tpu.memory_space<vmem>>)
      tpu.yield
    }) : () -> ()
    %get3A = arith.constant 0 : index
    %get3A_3 = tpu.vector_load %arg14[%get3A] {strides = array<i32>} : memref<64xf32, #tpu.memory_space<vmem>>, vector<16xf32>,
    %get3A_4 = arith.constant 16 : index
    %get3A_5 = tpu.vector_load %arg14[%get3A_4] {strides = array<i32>} : memref<64xf32, #tpu.memory_space<vmem>>, vector<16xf32>,
    %get3A_6 = arith.constant 32 : index
    %get3A_7 = tpu.vector_load %arg14[%get3A_6] {strides = array<i32>} : memref<64xf32, #tpu.memory_space<vmem>>, vector<16xf32>,
    %get3A_8 = arith.constant 48 : index
    %get3A_9 = tpu.vector_load %arg14[%get3A_8] {strides = array<i32>} : memref<64xf32, #tpu.memory_space<vmem>>, vector<16xf32>,
    %get3A_10 = arith.constant 0 : index
    %get3A_11 = tpu.vector_load %arg15[%get3A_10] {strides = array<i32>} : memref<64xf32, #tpu.memory_space<vmem>>, vector<16xf32>,
    %get3A_12 = arith.constant 16 : index
    %get3A_13 = tpu.vector_load %arg15[%get3A_12] {strides = array<i32>} : memref<64xf32, #tpu.memory_space<vmem>>, vector<16xf32>,
    %get3A_14 = arith.constant 32 : index
    %get3A_15 = tpu.vector_load %arg15[%get3A_14] {strides = array<i32>} : memref<64xf32, #tpu.memory_space<vmem>>, vector<16xf32>,
    %get3A_16 = arith.constant 48 : index
    %get3A_17 = tpu.vector_load %arg15[%get3A_16] {strides = array<i32>} : memref<64xf32, #tpu.memory_space<vmem>>, vector<16xf32>,
    %dma_start3A = arith.constant 0 : i32
    %dma_start3A_18 = arith.constant 0 : i32
    %dma_start3A_19 = arith.constant 0 : i32
    %dma_start3A_20 = tpu.memref_slice %arg10[%dma_start3A_18, %dma_start3A_19] : memref<200x64xf32, #tpu.memory_space<vmem>> -> memref<104x64xf32, #tpu.memory_space<vmem>>
    %dma_start3A_21 = arith.constant 0 : i32
    %dma_start3A_22 = tpu.memref_slice %arg8[%dma_start3A, %dma_start3A_21] : memref<128x200xi32, #tpu.memory_space<vmem>> -> memref<1x104xi32, #tpu.memory_space<vmem>>
    %dma_start3A_23 = tpu.memref_squeeze %dma_start3A_22 : memref<1x104xi32, #tpu.memory_space<vmem>> -> memref<104xi32, #tpu.memory_space<vmem>>
    %dma_start3A_24 = arith.constant 0 : i32
    %dma_start3A_25 = arith.constant 0 : i32
    %dma_start3A_26 = tpu.memref_slice %arg3[%dma_start3A_24, %dma_start3A_25] : memref<100000x64xf32, #tpu.memory_space<hbm>> -> memref<100000x64xf32, #tpu.memory_space<hbm>>
    tpu.enqueue_indirect_dma source(%dma_start3A_26 : memref<100000x64xf32, #tpu.memory_space<hbm>>) target(%dma_start3A_20 : memref<104x64xf32, #tpu.memory_space<vmem>>) offsets(%dma_start3A_23 : memref<104xi32, #tpu.memory_space<vmem>>) semaphore(%arg16 : memref<!tpu.dma_semaphore, #tpu.memory_space<semaphore_mem>>)
    %dma_start3A_27 = arith.constant 0 : i32
    %dma_start3A_28 = arith.constant 104 : i32
    %dma_start3A_29 = arith.constant 0 : i32
    %dma_start3A_30 = tpu.memref_slice %arg10[%dma_start3A_28, %dma_start3A_29] : memref<200x64xf32, #tpu.memory_space<vmem>> -> memref<96x64xf32, #tpu.memory_space<vmem>>
    %dma_start3A_31 = arith.constant 104 : i32
    %dma_start3A_32 = tpu.memref_slice %arg8[%dma_start3A_27, %dma_start3A_31] : memref<128x200xi32, #tpu.memory_space<vmem>> -> memref<1x96xi32, #tpu.memory_space<vmem>>
    %dma_start3A_33 = tpu.memref_squeeze %dma_start3A_32 : memref<1x96xi32, #tpu.memory_space<vmem>> -> memref<96xi32, #tpu.memory_space<vmem>>
    %dma_start3A_34 = arith.constant 0 : i32
    %dma_start3A_35 = arith.constant 0 : i32
    %dma_start3A_36 = tpu.memref_slice %arg3[%dma_start3A_34, %dma_start3A_35] : memref<100000x64xf32, #tpu.memory_space<hbm>> -> memref<100000x64xf32, #tpu.memory_space<hbm>>
    tpu.enqueue_indirect_dma source(%dma_start3A_36 : memref<100000x64xf32, #tpu.memory_space<hbm>>) target(%dma_start3A_30 : memref<96x64xf32, #tpu.memory_space<vmem>>) offsets(%dma_start3A_33 : memref<96xi32, #tpu.memory_space<vmem>>) semaphore(%arg16 : memref<!tpu.dma_semaphore, #tpu.memory_space<semaphore_mem>>)
    %scan3A = arith.constant 0 : i32
    %scan3A_37 = arith.constant 64 : i32
    %scan3A_38 = arith.addi %scan3A, %scan3A_37 : i32
    %scan3A_39 = arith.constant 1 : i32
    scf.for %scan3A_59 = %scan3A to %scan3A_38 step %scan3A_39  : i32 {
      %mul3A_60 = arith.constant 1 : i32
      %mul3A_61 = arith.muli %scan3A_59, %mul3A_60 : i32
      %add3A_62 = arith.constant 0 : i32
      %add3A_63 = arith.addi %add3A_62, %mul3A_61 : i32
      %mul3A_64 = arith.constant 2 : i32
      %mul3A_65 = arith.muli %add3A_63, %mul3A_64 : i32
      %add3A_66 = arith.constant 1 : i32
      %add3A_67 = arith.addi %mul3A_65, %add3A_66 : i32
      %gt3A = arith.constant 0 : i32
      %gt3A_68 = arith.cmpi sgt, %add3A_63, %gt3A : i32
      %convert_element_type3A = arith.extui %gt3A_68 : i1 to i32
      %cond3A = arith.constant 0 : i32
      %cond3A_69 = arith.cmpi ne, %convert_element_type3A, %cond3A : i32
      scf.if %cond3A_69 {
        %add3A_147 = arith.addi %mul3A_2, %add3A_67 : i32
        %sub3A_148 = arith.constant 2 : i32
        %sub3A_149 = arith.subi %add3A_147, %sub3A_148 : i32
        %mul3A_150 = arith.constant 200 : i32
        %mul3A_151 = arith.muli %sub3A_149, %mul3A_150 : i32
        %mul3A_152 = arith.constant 64 : i32
        %mul3A_153 = arith.muli %mul3A_151, %mul3A_152 : i32
        %dma_wait3A_154 = tpu.memref_slice %arg7[%mul3A_153] : memref<52428800xf32, #tpu.memory_space<hbm>> -> memref<12800xf32, #tpu.memory_space<hbm>>
        %dma_wait3A_155 = tpu.memref_slice %arg7[%mul3A_153] : memref<52428800xf32, #tpu.memory_space<hbm>> -> memref<12800xf32, #tpu.memory_space<hbm>>
        tpu.wait_dma2 semaphore(%arg19 : memref<!tpu.dma_semaphore, #tpu.memory_space<semaphore_mem>>) src(%arg13 : memref<12800xf32, #tpu.memory_space<vmem>>) dst(%dma_wait3A_155 : memref<12800xf32, #tpu.memory_space<hbm>>)
      } else {
      }
      %dma_start3A_70 = arith.constant 0 : i32
      %dma_start3A_71 = arith.constant 0 : i32
      %dma_start3A_72 = tpu.memref_slice %arg11[%dma_start3A_70, %dma_start3A_71] : memref<200x64xf32, #tpu.memory_space<vmem>> -> memref<104x64xf32, #tpu.memory_space<vmem>>
      %dma_start3A_73 = arith.constant 0 : i32
      %dma_start3A_74 = tpu.memref_slice %arg8[%add3A_67, %dma_start3A_73] : memref<128x200xi32, #tpu.memory_space<vmem>> -> memref<1x104xi32, #tpu.memory_space<vmem>>
      %dma_start3A_75 = tpu.memref_squeeze %dma_start3A_74 : memref<1x104xi32, #tpu.memory_space<vmem>> -> memref<104xi32, #tpu.memory_space<vmem>>
      %dma_start3A_76 = arith.constant 0 : i32
      %dma_start3A_77 = arith.constant 0 : i32
      %dma_start3A_78 = tpu.memref_slice %arg3[%dma_start3A_76, %dma_start3A_77] : memref<100000x64xf32, #tpu.memory_space<hbm>> -> memref<100000x64xf32, #tpu.memory_space<hbm>>
      tpu.enqueue_indirect_dma source(%dma_start3A_78 : memref<100000x64xf32, #tpu.memory_space<hbm>>) target(%dma_start3A_72 : memref<104x64xf32, #tpu.memory_space<vmem>>) offsets(%dma_start3A_75 : memref<104xi32, #tpu.memory_space<vmem>>) semaphore(%arg17 : memref<!tpu.dma_semaphore, #tpu.memory_space<semaphore_mem>>)
      %dma_start3A_79 = arith.constant 104 : i32
      %dma_start3A_80 = arith.constant 0 : i32
      %dma_start3A_81 = tpu.memref_slice %arg11[%dma_start3A_79, %dma_start3A_80] : memref<200x64xf32, #tpu.memory_space<vmem>> -> memref<96x64xf32, #tpu.memory_space<vmem>>
      %dma_start3A_82 = arith.constant 104 : i32
      %dma_start3A_83 = tpu.memref_slice %arg8[%add3A_67, %dma_start3A_82] : memref<128x200xi32, #tpu.memory_space<vmem>> -> memref<1x96xi32, #tpu.memory_space<vmem>>
      %dma_start3A_84 = tpu.memref_squeeze %dma_start3A_83 : memref<1x96xi32, #tpu.memory_space<vmem>> -> memref<96xi32, #tpu.memory_space<vmem>>
      %dma_start3A_85 = arith.constant 0 : i32
      %dma_start3A_86 = arith.constant 0 : i32
      %dma_start3A_87 = tpu.memref_slice %arg3[%dma_start3A_85, %dma_start3A_86] : memref<100000x64xf32, #tpu.memory_space<hbm>> -> memref<100000x64xf32, #tpu.memory_space<hbm>>
      tpu.enqueue_indirect_dma source(%dma_start3A_87 : memref<100000x64xf32, #tpu.memory_space<hbm>>) target(%dma_start3A_81 : memref<96x64xf32, #tpu.memory_space<vmem>>) offsets(%dma_start3A_84 : memref<96xi32, #tpu.memory_space<vmem>>) semaphore(%arg17 : memref<!tpu.dma_semaphore, #tpu.memory_space<semaphore_mem>>)
      %dma_wait3A_88 = arith.constant 0 : i32
      %dma_wait3A_89 = arith.constant 0 : i32
      %dma_wait3A_90 = tpu.memref_slice %arg10[%dma_wait3A_88, %dma_wait3A_89] : memref<200x64xf32, #tpu.memory_space<vmem>> -> memref<104x64xf32, #tpu.memory_space<vmem>>
      %dma_wait3A_91 = arith.constant 0 : i32
      %dma_wait3A_92 = tpu.memref_slice %arg8[%mul3A_65, %dma_wait3A_91] : memref<128x200xi32, #tpu.memory_space<vmem>> -> memref<1x104xi32, #tpu.memory_space<vmem>>
      %dma_wait3A_93 = tpu.memref_squeeze %dma_wait3A_92 : memref<1x104xi32, #tpu.memory_space<vmem>> -> memref<104xi32, #tpu.memory_space<vmem>>
      %dma_wait3A_94 = arith.constant 0 : i32
      %dma_wait3A_95 = arith.constant 0 : i32
      %dma_wait3A_96 = tpu.memref_slice %arg3[%dma_wait3A_94, %dma_wait3A_95] : memref<100000x64xf32, #tpu.memory_space<hbm>> -> memref<100000x64xf32, #tpu.memory_space<hbm>>
      tpu.wait_indirect_dma semaphore(%arg16 : memref<!tpu.dma_semaphore, #tpu.memory_space<semaphore_mem>>) src(%dma_wait3A_96 : memref<100000x64xf32, #tpu.memory_space<hbm>>) dst(%dma_wait3A_90 : memref<104x64xf32, #tpu.memory_space<vmem>>)
      %dma_wait3A_97 = arith.constant 104 : i32
      %dma_wait3A_98 = arith.constant 0 : i32
      %dma_wait3A_99 = tpu.memref_slice %arg10[%dma_wait3A_97, %dma_wait3A_98] : memref<200x64xf32, #tpu.memory_space<vmem>> -> memref<96x64xf32, #tpu.memory_space<vmem>>
      %dma_wait3A_100 = arith.constant 104 : i32
      %dma_wait3A_101 = tpu.memref_slice %arg8[%mul3A_65, %dma_wait3A_100] : memref<128x200xi32, #tpu.memory_space<vmem>> -> memref<1x96xi32, #tpu.memory_space<vmem>>
      %dma_wait3A_102 = tpu.memref_squeeze %dma_wait3A_101 : memref<1x96xi32, #tpu.memory_space<vmem>> -> memref<96xi32, #tpu.memory_space<vmem>>
      %dma_wait3A_103 = arith.constant 0 : i32
      %dma_wait3A_104 = arith.constant 0 : i32
      %dma_wait3A_105 = tpu.memref_slice %arg3[%dma_wait3A_103, %dma_wait3A_104] : memref<100000x64xf32, #tpu.memory_space<hbm>> -> memref<100000x64xf32, #tpu.memory_space<hbm>>
      tpu.wait_indirect_dma semaphore(%arg16 : memref<!tpu.dma_semaphore, #tpu.memory_space<semaphore_mem>>) src(%dma_wait3A_105 : memref<100000x64xf32, #tpu.memory_space<hbm>>) dst(%dma_wait3A_99 : memref<96x64xf32, #tpu.memory_space<vmem>>)
      %parallel_loop3A = arith.constant 0 : i32
      %parallel_loop3A_106 = arith.constant 200 : i32
      %parallel_loop3A_107 = arith.constant 1 : i32
      scf.for %parallel_loop3A_147 = %parallel_loop3A to %parallel_loop3A_106 step %parallel_loop3A_107  : i32 {
        %parallel_loop3A_148 = arith.index_cast %parallel_loop3A_147 : i32 to index
        %parallel_loop3A_149 = arith.constant 0 : index
        %parallel_loop3A_150 = tpu.vector_load %arg10[%parallel_loop3A_148, %parallel_loop3A_149] {strides = array<i32>} : memref<200x64xf32, #tpu.memory_space<vmem>>, vector<16xf32>,
        %parallel_loop3A_151 = arith.index_cast %parallel_loop3A_147 : i32 to index
        %parallel_loop3A_152 = arith.constant 0 : index
        %parallel_loop3A_153 = tpu.vector_load %arg9[%parallel_loop3A_151, %parallel_loop3A_152] {strides = array<i32>} : memref<200x64xf32, #tpu.memory_space<vmem>>, vector<16xf32>,
        %parallel_loop3A_154 = arith.addf %parallel_loop3A_150, %parallel_loop3A_153 : vector<16xf32>
        %parallel_loop3A_155 = arith.index_cast %parallel_loop3A_147 : i32 to index
        %parallel_loop3A_156 = arith.constant 16 : index
        %parallel_loop3A_157 = tpu.vector_load %arg10[%parallel_loop3A_155, %parallel_loop3A_156] {strides = array<i32>} : memref<200x64xf32, #tpu.memory_space<vmem>>, vector<16xf32>,
        %parallel_loop3A_158 = arith.index_cast %parallel_loop3A_147 : i32 to index
        %parallel_loop3A_159 = arith.constant 16 : index
        %parallel_loop3A_160 = tpu.vector_load %arg9[%parallel_loop3A_158, %parallel_loop3A_159] {strides = array<i32>} : memref<200x64xf32, #tpu.memory_space<vmem>>, vector<16xf32>,
        %parallel_loop3A_161 = arith.addf %parallel_loop3A_157, %parallel_loop3A_160 : vector<16xf32>
        %parallel_loop3A_162 = arith.index_cast %parallel_loop3A_147 : i32 to index
        %parallel_loop3A_163 = arith.constant 32 : index
        %parallel_loop3A_164 = tpu.vector_load %arg10[%parallel_loop3A_162, %parallel_loop3A_163] {strides = array<i32>} : memref<200x64xf32, #tpu.memory_space<vmem>>, vector<16xf32>,
        %parallel_loop3A_165 = arith.index_cast %parallel_loop3A_147 : i32 to index
        %parallel_loop3A_166 = arith.constant 32 : index
        %parallel_loop3A_167 = tpu.vector_load %arg9[%parallel_loop3A_165, %parallel_loop3A_166] {strides = array<i32>} : memref<200x64xf32, #tpu.memory_space<vmem>>, vector<16xf32>,
        %parallel_loop3A_168 = arith.addf %parallel_loop3A_164, %parallel_loop3A_167 : vector<16xf32>
        %parallel_loop3A_169 = arith.index_cast %parallel_loop3A_147 : i32 to index
        %parallel_loop3A_170 = arith.constant 48 : index
        %parallel_loop3A_171 = tpu.vector_load %arg10[%parallel_loop3A_169, %parallel_loop3A_170] {strides = array<i32>} : memref<200x64xf32, #tpu.memory_space<vmem>>, vector<16xf32>,
        %parallel_loop3A_172 = arith.index_cast %parallel_loop3A_147 : i32 to index
        %parallel_loop3A_173 = arith.constant 48 : index
        %parallel_loop3A_174 = tpu.vector_load %arg9[%parallel_loop3A_172, %parallel_loop3A_173] {strides = array<i32>} : memref<200x64xf32, #tpu.memory_space<vmem>>, vector<16xf32>,
        %parallel_loop3A_175 = arith.addf %parallel_loop3A_171, %parallel_loop3A_174 : vector<16xf32>
        %parallel_loop3A_176 = arith.addf %parallel_loop3A_154, %parallel_loop3A_161 : vector<16xf32>
        %parallel_loop3A_177 = arith.addf %parallel_loop3A_168, %parallel_loop3A_175 : vector<16xf32>
        %parallel_loop3A_178 = arith.addf %parallel_loop3A_176, %parallel_loop3A_177 : vector<16xf32>
        %parallel_loop3A_179 = arith.constant true
        %parallel_loop3A_180 = vector.broadcast %parallel_loop3A_179 : i1 to vector<16xi1>
        %parallel_loop3A_181 = tpu.scan <sum>, %parallel_loop3A_178 masked %parallel_loop3A_180 : vector<16xf32>, vector<16xi1> -> vector<16xf32>
        %parallel_loop3A_182 = vector.extract %parallel_loop3A_181[15] : f32 from vector<16xf32>
        %parallel_loop3A_183 = arith.mulf %parallel_loop3A_154, %parallel_loop3A_154 : vector<16xf32>
        %parallel_loop3A_184 = arith.mulf %parallel_loop3A_161, %parallel_loop3A_161 : vector<16xf32>
        %parallel_loop3A_185 = arith.addf %parallel_loop3A_183, %parallel_loop3A_184 : vector<16xf32>
        %parallel_loop3A_186 = arith.mulf %parallel_loop3A_168, %parallel_loop3A_168 : vector<16xf32>
        %parallel_loop3A_187 = arith.mulf %parallel_loop3A_175, %parallel_loop3A_175 : vector<16xf32>
        %parallel_loop3A_188 = arith.addf %parallel_loop3A_186, %parallel_loop3A_187 : vector<16xf32>
        %parallel_loop3A_189 = arith.addf %parallel_loop3A_185, %parallel_loop3A_188 : vector<16xf32>
        %parallel_loop3A_190 = arith.constant true
        %parallel_loop3A_191 = vector.broadcast %parallel_loop3A_190 : i1 to vector<16xi1>
        %parallel_loop3A_192 = tpu.scan <sum>, %parallel_loop3A_189 masked %parallel_loop3A_191 : vector<16xf32>, vector<16xi1> -> vector<16xf32>
        %parallel_loop3A_193 = vector.extract %parallel_loop3A_192[15] : f32 from vector<16xf32>
        %parallel_loop3A_194 = arith.constant 1.562500e-02 : f32
        %parallel_loop3A_195 = arith.mulf %parallel_loop3A_182, %parallel_loop3A_194 : f32
        %parallel_loop3A_196 = arith.constant 1.562500e-02 : f32
        %parallel_loop3A_197 = arith.mulf %parallel_loop3A_193, %parallel_loop3A_196 : f32
        %parallel_loop3A_198 = arith.mulf %parallel_loop3A_195, %parallel_loop3A_195 : f32
        %parallel_loop3A_199 = arith.subf %parallel_loop3A_197, %parallel_loop3A_198 : f32
        %parallel_loop3A_200 = arith.constant 0.000000e+00 : f32
        %parallel_loop3A_201 = arith.maximumf %parallel_loop3A_199, %parallel_loop3A_200 : f32
        %parallel_loop3A_202 = arith.constant 9.99999996E-13 : f32
        %parallel_loop3A_203 = arith.addf %parallel_loop3A_201, %parallel_loop3A_202 : f32
        %parallel_loop3A_204 = arith.bitcast %parallel_loop3A_203 : f32 to i32
        %parallel_loop3A_205 = arith.constant 1 : i32
        %parallel_loop3A_206 = arith.shrsi %parallel_loop3A_204, %parallel_loop3A_205 : i32
        %parallel_loop3A_207 = arith.constant 1597463007 : i32
        %parallel_loop3A_208 = arith.subi %parallel_loop3A_207, %parallel_loop3A_206 : i32
        %parallel_loop3A_209 = arith.bitcast %parallel_loop3A_208 : i32 to f32
        %parallel_loop3A_210 = arith.constant 5.000000e-01 : f32
        %parallel_loop3A_211 = arith.mulf %parallel_loop3A_210, %parallel_loop3A_203 : f32
        %parallel_loop3A_212 = arith.mulf %parallel_loop3A_211, %parallel_loop3A_209 : f32
        %parallel_loop3A_213 = arith.mulf %parallel_loop3A_212, %parallel_loop3A_209 : f32
        %parallel_loop3A_214 = arith.constant 1.500000e+00 : f32
        %parallel_loop3A_215 = arith.subf %parallel_loop3A_214, %parallel_loop3A_213 : f32
        %parallel_loop3A_216 = arith.mulf %parallel_loop3A_209, %parallel_loop3A_215 : f32
        %parallel_loop3A_217 = arith.constant 5.000000e-01 : f32
        %parallel_loop3A_218 = arith.mulf %parallel_loop3A_217, %parallel_loop3A_203 : f32
        %parallel_loop3A_219 = arith.mulf %parallel_loop3A_218, %parallel_loop3A_216 : f32
        %parallel_loop3A_220 = arith.mulf %parallel_loop3A_219, %parallel_loop3A_216 : f32
        %parallel_loop3A_221 = arith.constant 1.500000e+00 : f32
        %parallel_loop3A_222 = arith.subf %parallel_loop3A_221, %parallel_loop3A_220 : f32
        %parallel_loop3A_223 = arith.mulf %parallel_loop3A_216, %parallel_loop3A_222 : f32
        %parallel_loop3A_224 = arith.constant 5.000000e-01 : f32
        %parallel_loop3A_225 = arith.mulf %parallel_loop3A_224, %parallel_loop3A_203 : f32
        %parallel_loop3A_226 = arith.mulf %parallel_loop3A_225, %parallel_loop3A_223 : f32
        %parallel_loop3A_227 = arith.mulf %parallel_loop3A_226, %parallel_loop3A_223 : f32
        %parallel_loop3A_228 = arith.constant 1.500000e+00 : f32
        %parallel_loop3A_229 = arith.subf %parallel_loop3A_228, %parallel_loop3A_227 : f32
        %parallel_loop3A_230 = arith.mulf %parallel_loop3A_223, %parallel_loop3A_229 : f32
        %parallel_loop3A_231 = vector.broadcast %parallel_loop3A_195 : f32 to vector<16xf32>
        %parallel_loop3A_232 = arith.subf %parallel_loop3A_154, %parallel_loop3A_231 : vector<16xf32>
        %parallel_loop3A_233 = vector.broadcast %parallel_loop3A_230 : f32 to vector<16xf32>
        %parallel_loop3A_234 = arith.mulf %parallel_loop3A_232, %parallel_loop3A_233 : vector<16xf32>
        %parallel_loop3A_235 = arith.mulf %parallel_loop3A_234, %get3A_3 : vector<16xf32>
        %parallel_loop3A_236 = arith.addf %parallel_loop3A_235, %get3A_11 : vector<16xf32>
        %parallel_loop3A_237 = arith.constant 64 : i32
        %parallel_loop3A_238 = arith.muli %parallel_loop3A_147, %parallel_loop3A_237 : i32
        %parallel_loop3A_239 = arith.constant 0 : i32
        %parallel_loop3A_240 = arith.addi %parallel_loop3A_238, %parallel_loop3A_239 : i32
        %parallel_loop3A_241 = arith.index_cast %parallel_loop3A_240 : i32 to index
        %parallel_loop3A_242 = tpu.vector_load %arg12[%parallel_loop3A_241] {strides = array<i32>} : memref<12800xf32, #tpu.memory_space<vmem>>, vector<16xf32>,
        tpu.vector_store %arg12[%parallel_loop3A_241], %parallel_loop3A_236 {strides = array<i32>} : memref<12800xf32, #tpu.memory_space<vmem>>, vector<16xf32>,
        %parallel_loop3A_243 = vector.broadcast %parallel_loop3A_195 : f32 to vector<16xf32>
        %parallel_loop3A_244 = arith.subf %parallel_loop3A_161, %parallel_loop3A_243 : vector<16xf32>
        %parallel_loop3A_245 = vector.broadcast %parallel_loop3A_230 : f32 to vector<16xf32>
        %parallel_loop3A_246 = arith.mulf %parallel_loop3A_244, %parallel_loop3A_245 : vector<16xf32>
        %parallel_loop3A_247 = arith.mulf %parallel_loop3A_246, %get3A_5 : vector<16xf32>
        %parallel_loop3A_248 = arith.addf %parallel_loop3A_247, %get3A_13 : vector<16xf32>
        %parallel_loop3A_249 = arith.constant 64 : i32
        %parallel_loop3A_250 = arith.muli %parallel_loop3A_147, %parallel_loop3A_249 : i32
        %parallel_loop3A_251 = arith.constant 16 : i32
        %parallel_loop3A_252 = arith.addi %parallel_loop3A_250, %parallel_loop3A_251 : i32
        %parallel_loop3A_253 = arith.index_cast %parallel_loop3A_252 : i32 to index
        %parallel_loop3A_254 = tpu.vector_load %arg12[%parallel_loop3A_253] {strides = array<i32>} : memref<12800xf32, #tpu.memory_space<vmem>>, vector<16xf32>,
        tpu.vector_store %arg12[%parallel_loop3A_253], %parallel_loop3A_248 {strides = array<i32>} : memref<12800xf32, #tpu.memory_space<vmem>>, vector<16xf32>,
        %parallel_loop3A_255 = vector.broadcast %parallel_loop3A_195 : f32 to vector<16xf32>
        %parallel_loop3A_256 = arith.subf %parallel_loop3A_168, %parallel_loop3A_255 : vector<16xf32>
        %parallel_loop3A_257 = vector.broadcast %parallel_loop3A_230 : f32 to vector<16xf32>
        %parallel_loop3A_258 = arith.mulf %parallel_loop3A_256, %parallel_loop3A_257 : vector<16xf32>
        %parallel_loop3A_259 = arith.mulf %parallel_loop3A_258, %get3A_7 : vector<16xf32>
        %parallel_loop3A_260 = arith.addf %parallel_loop3A_259, %get3A_15 : vector<16xf32>
        %parallel_loop3A_261 = arith.constant 64 : i32
        %parallel_loop3A_262 = arith.muli %parallel_loop3A_147, %parallel_loop3A_261 : i32
        %parallel_loop3A_263 = arith.constant 32 : i32
        %parallel_loop3A_264 = arith.addi %parallel_loop3A_262, %parallel_loop3A_263 : i32
        %parallel_loop3A_265 = arith.index_cast %parallel_loop3A_264 : i32 to index
        %parallel_loop3A_266 = tpu.vector_load %arg12[%parallel_loop3A_265] {strides = array<i32>} : memref<12800xf32, #tpu.memory_space<vmem>>, vector<16xf32>,
        tpu.vector_store %arg12[%parallel_loop3A_265], %parallel_loop3A_260 {strides = array<i32>} : memref<12800xf32, #tpu.memory_space<vmem>>, vector<16xf32>,
        %parallel_loop3A_267 = vector.broadcast %parallel_loop3A_195 : f32 to vector<16xf32>
        %parallel_loop3A_268 = arith.subf %parallel_loop3A_175, %parallel_loop3A_267 : vector<16xf32>
        %parallel_loop3A_269 = vector.broadcast %parallel_loop3A_230 : f32 to vector<16xf32>
        %parallel_loop3A_270 = arith.mulf %parallel_loop3A_268, %parallel_loop3A_269 : vector<16xf32>
        %parallel_loop3A_271 = arith.mulf %parallel_loop3A_270, %get3A_9 : vector<16xf32>
        %parallel_loop3A_272 = arith.addf %parallel_loop3A_271, %get3A_17 : vector<16xf32>
        %parallel_loop3A_273 = arith.constant 64 : i32
        %parallel_loop3A_274 = arith.muli %parallel_loop3A_147, %parallel_loop3A_273 : i32
        %parallel_loop3A_275 = arith.constant 48 : i32
        %parallel_loop3A_276 = arith.addi %parallel_loop3A_274, %parallel_loop3A_275 : i32
        %parallel_loop3A_277 = arith.index_cast %parallel_loop3A_276 : i32 to index
        %parallel_loop3A_278 = tpu.vector_load %arg12[%parallel_loop3A_277] {strides = array<i32>} : memref<12800xf32, #tpu.memory_space<vmem>>, vector<16xf32>,
        tpu.vector_store %arg12[%parallel_loop3A_277], %parallel_loop3A_272 {strides = array<i32>} : memref<12800xf32, #tpu.memory_space<vmem>>, vector<16xf32>,
      } {sc.loop_unroll_factor = 4 : i64, sc.parallel_access}
      %add3A_108 = arith.addi %mul3A_2, %mul3A_65 : i32
      %mul3A_109 = arith.constant 200 : i32
      %mul3A_110 = arith.muli %add3A_108, %mul3A_109 : i32
      %mul3A_111 = arith.constant 64 : i32
      %mul3A_112 = arith.muli %mul3A_110, %mul3A_111 : i32
      %dma_start3A_113 = tpu.memref_slice %arg7[%mul3A_112] : memref<52428800xf32, #tpu.memory_space<hbm>> -> memref<12800xf32, #tpu.memory_space<hbm>>
      %dma_start3A_114 = tpu.memref_slice %arg7[%mul3A_112] : memref<52428800xf32, #tpu.memory_space<hbm>> -> memref<12800xf32, #tpu.memory_space<hbm>>
      tpu.enqueue_dma source(%arg12 : memref<12800xf32, #tpu.memory_space<vmem>>) target(%dma_start3A_114 : memref<12800xf32, #tpu.memory_space<hbm>>) target_semaphore(%arg18 : memref<!tpu.dma_semaphore, #tpu.memory_space<semaphore_mem>>)
      %lt3A = arith.constant 63 : i32
      %lt3A_115 = arith.cmpi slt, %add3A_63, %lt3A : i32
      %convert_element_type3A_116 = arith.extui %lt3A_115 : i1 to i32
      %cond3A_117 = arith.constant 0 : i32
      %cond3A_118 = arith.cmpi ne, %convert_element_type3A_116, %cond3A_117 : i32
      scf.if %cond3A_118 {
        %add3A_147 = arith.addi %mul3A_2, %mul3A_65 : i32
        %mul3A_148 = arith.constant 200 : i32
        %mul3A_149 = arith.muli %add3A_147, %mul3A_148 : i32
        %mul3A_150 = arith.constant 64 : i32
        %mul3A_151 = arith.muli %mul3A_149, %mul3A_150 : i32
        %dma_wait3A_152 = tpu.memref_slice %arg7[%mul3A_151] : memref<52428800xf32, #tpu.memory_space<hbm>> -> memref<12800xf32, #tpu.memory_space<hbm>>
        %dma_wait3A_153 = tpu.memref_slice %arg7[%mul3A_151] : memref<52428800xf32, #tpu.memory_space<hbm>> -> memref<12800xf32, #tpu.memory_space<hbm>>
        tpu.wait_dma2 semaphore(%arg18 : memref<!tpu.dma_semaphore, #tpu.memory_space<semaphore_mem>>) src(%arg12 : memref<12800xf32, #tpu.memory_space<vmem>>) dst(%dma_wait3A_153 : memref<12800xf32, #tpu.memory_space<hbm>>)
        %add3A_154 = arith.constant 2 : i32
        %add3A_155 = arith.addi %mul3A_65, %add3A_154 : i32
        %dma_start3A_156 = arith.constant 0 : i32
        %dma_start3A_157 = arith.constant 0 : i32
        %dma_start3A_158 = tpu.memref_slice %arg10[%dma_start3A_156, %dma_start3A_157] : memref<200x64xf32, #tpu.memory_space<vmem>> -> memref<104x64xf32, #tpu.memory_space<vmem>>
        %dma_start3A_159 = arith.constant 0 : i32
        %dma_start3A_160 = tpu.memref_slice %arg8[%add3A_155, %dma_start3A_159] : memref<128x200xi32, #tpu.memory_space<vmem>> -> memref<1x104xi32, #tpu.memory_space<vmem>>
        %dma_start3A_161 = tpu.memref_squeeze %dma_start3A_160 : memref<1x104xi32, #tpu.memory_space<vmem>> -> memref<104xi32, #tpu.memory_space<vmem>>
        %dma_start3A_162 = arith.constant 0 : i32
        %dma_start3A_163 = arith.constant 0 : i32
        %dma_start3A_164 = tpu.memref_slice %arg3[%dma_start3A_162, %dma_start3A_163] : memref<100000x64xf32, #tpu.memory_space<hbm>> -> memref<100000x64xf32, #tpu.memory_space<hbm>>
        tpu.enqueue_indirect_dma source(%dma_start3A_164 : memref<100000x64xf32, #tpu.memory_space<hbm>>) target(%dma_start3A_158 : memref<104x64xf32, #tpu.memory_space<vmem>>) offsets(%dma_start3A_161 : memref<104xi32, #tpu.memory_space<vmem>>) semaphore(%arg16 : memref<!tpu.dma_semaphore, #tpu.memory_space<semaphore_mem>>)
        %dma_start3A_165 = arith.constant 104 : i32
        %dma_start3A_166 = arith.constant 0 : i32
        %dma_start3A_167 = tpu.memref_slice %arg10[%dma_start3A_165, %dma_start3A_166] : memref<200x64xf32, #tpu.memory_space<vmem>> -> memref<96x64xf32, #tpu.memory_space<vmem>>
        %dma_start3A_168 = arith.constant 104 : i32
        %dma_start3A_169 = tpu.memref_slice %arg8[%add3A_155, %dma_start3A_168] : memref<128x200xi32, #tpu.memory_space<vmem>> -> memref<1x96xi32, #tpu.memory_space<vmem>>
        %dma_start3A_170 = tpu.memref_squeeze %dma_start3A_169 : memref<1x96xi32, #tpu.memory_space<vmem>> -> memref<96xi32, #tpu.memory_space<vmem>>
        %dma_start3A_171 = arith.constant 0 : i32
        %dma_start3A_172 = arith.constant 0 : i32
        %dma_start3A_173 = tpu.memref_slice %arg3[%dma_start3A_171, %dma_start3A_172] : memref<100000x64xf32, #tpu.memory_space<hbm>> -> memref<100000x64xf32, #tpu.memory_space<hbm>>
        tpu.enqueue_indirect_dma source(%dma_start3A_173 : memref<100000x64xf32, #tpu.memory_space<hbm>>) target(%dma_start3A_167 : memref<96x64xf32, #tpu.memory_space<vmem>>) offsets(%dma_start3A_170 : memref<96xi32, #tpu.memory_space<vmem>>) semaphore(%arg16 : memref<!tpu.dma_semaphore, #tpu.memory_space<semaphore_mem>>)
      } else {
      }
      %dma_wait3A_119 = arith.constant 0 : i32
      %dma_wait3A_120 = arith.constant 0 : i32
      %dma_wait3A_121 = tpu.memref_slice %arg11[%dma_wait3A_119, %dma_wait3A_120] : memref<200x64xf32, #tpu.memory_space<vmem>> -> memref<104x64xf32, #tpu.memory_space<vmem>>
      %dma_wait3A_122 = arith.constant 0 : i32
      %dma_wait3A_123 = tpu.memref_slice %arg8[%add3A_67, %dma_wait3A_122] : memref<128x200xi32, #tpu.memory_space<vmem>> -> memref<1x104xi32, #tpu.memory_space<vmem>>
      %dma_wait3A_124 = tpu.memref_squeeze %dma_wait3A_123 : memref<1x104xi32, #tpu.memory_space<vmem>> -> memref<104xi32, #tpu.memory_space<vmem>>
      %dma_wait3A_125 = arith.constant 0 : i32
      %dma_wait3A_126 = arith.constant 0 : i32
      %dma_wait3A_127 = tpu.memref_slice %arg3[%dma_wait3A_125, %dma_wait3A_126] : memref<100000x64xf32, #tpu.memory_space<hbm>> -> memref<100000x64xf32, #tpu.memory_space<hbm>>
      tpu.wait_indirect_dma semaphore(%arg17 : memref<!tpu.dma_semaphore, #tpu.memory_space<semaphore_mem>>) src(%dma_wait3A_127 : memref<100000x64xf32, #tpu.memory_space<hbm>>) dst(%dma_wait3A_121 : memref<104x64xf32, #tpu.memory_space<vmem>>)
      %dma_wait3A_128 = arith.constant 104 : i32
      %dma_wait3A_129 = arith.constant 0 : i32
      %dma_wait3A_130 = tpu.memref_slice %arg11[%dma_wait3A_128, %dma_wait3A_129] : memref<200x64xf32, #tpu.memory_space<vmem>> -> memref<96x64xf32, #tpu.memory_space<vmem>>
      %dma_wait3A_131 = arith.constant 104 : i32
      %dma_wait3A_132 = tpu.memref_slice %arg8[%add3A_67, %dma_wait3A_131] : memref<128x200xi32, #tpu.memory_space<vmem>> -> memref<1x96xi32, #tpu.memory_space<vmem>>
      %dma_wait3A_133 = tpu.memref_squeeze %dma_wait3A_132 : memref<1x96xi32, #tpu.memory_space<vmem>> -> memref<96xi32, #tpu.memory_space<vmem>>
      %dma_wait3A_134 = arith.constant 0 : i32
      %dma_wait3A_135 = arith.constant 0 : i32
      %dma_wait3A_136 = tpu.memref_slice %arg3[%dma_wait3A_134, %dma_wait3A_135] : memref<100000x64xf32, #tpu.memory_space<hbm>> -> memref<100000x64xf32, #tpu.memory_space<hbm>>
      tpu.wait_indirect_dma semaphore(%arg17 : memref<!tpu.dma_semaphore, #tpu.memory_space<semaphore_mem>>) src(%dma_wait3A_136 : memref<100000x64xf32, #tpu.memory_space<hbm>>) dst(%dma_wait3A_130 : memref<96x64xf32, #tpu.memory_space<vmem>>)
      %parallel_loop3A_137 = arith.constant 0 : i32
      %parallel_loop3A_138 = arith.constant 200 : i32
      %parallel_loop3A_139 = arith.constant 1 : i32
      scf.for %parallel_loop3A_147 = %parallel_loop3A_137 to %parallel_loop3A_138 step %parallel_loop3A_139  : i32 {
        %parallel_loop3A_148 = arith.index_cast %parallel_loop3A_147 : i32 to index
        %parallel_loop3A_149 = arith.constant 0 : index
        %parallel_loop3A_150 = tpu.vector_load %arg11[%parallel_loop3A_148, %parallel_loop3A_149] {strides = array<i32>} : memref<200x64xf32, #tpu.memory_space<vmem>>, vector<16xf32>,
        %parallel_loop3A_151 = arith.index_cast %parallel_loop3A_147 : i32 to index
        %parallel_loop3A_152 = arith.constant 0 : index
        %parallel_loop3A_153 = tpu.vector_load %arg9[%parallel_loop3A_151, %parallel_loop3A_152] {strides = array<i32>} : memref<200x64xf32, #tpu.memory_space<vmem>>, vector<16xf32>,
        %parallel_loop3A_154 = arith.addf %parallel_loop3A_150, %parallel_loop3A_153 : vector<16xf32>
        %parallel_loop3A_155 = arith.index_cast %parallel_loop3A_147 : i32 to index
        %parallel_loop3A_156 = arith.constant 16 : index
        %parallel_loop3A_157 = tpu.vector_load %arg11[%parallel_loop3A_155, %parallel_loop3A_156] {strides = array<i32>} : memref<200x64xf32, #tpu.memory_space<vmem>>, vector<16xf32>,
        %parallel_loop3A_158 = arith.index_cast %parallel_loop3A_147 : i32 to index
        %parallel_loop3A_159 = arith.constant 16 : index
        %parallel_loop3A_160 = tpu.vector_load %arg9[%parallel_loop3A_158, %parallel_loop3A_159] {strides = array<i32>} : memref<200x64xf32, #tpu.memory_space<vmem>>, vector<16xf32>,
        %parallel_loop3A_161 = arith.addf %parallel_loop3A_157, %parallel_loop3A_160 : vector<16xf32>
        %parallel_loop3A_162 = arith.index_cast %parallel_loop3A_147 : i32 to index
        %parallel_loop3A_163 = arith.constant 32 : index
        %parallel_loop3A_164 = tpu.vector_load %arg11[%parallel_loop3A_162, %parallel_loop3A_163] {strides = array<i32>} : memref<200x64xf32, #tpu.memory_space<vmem>>, vector<16xf32>,
        %parallel_loop3A_165 = arith.index_cast %parallel_loop3A_147 : i32 to index
        %parallel_loop3A_166 = arith.constant 32 : index
        %parallel_loop3A_167 = tpu.vector_load %arg9[%parallel_loop3A_165, %parallel_loop3A_166] {strides = array<i32>} : memref<200x64xf32, #tpu.memory_space<vmem>>, vector<16xf32>,
        %parallel_loop3A_168 = arith.addf %parallel_loop3A_164, %parallel_loop3A_167 : vector<16xf32>
        %parallel_loop3A_169 = arith.index_cast %parallel_loop3A_147 : i32 to index
        %parallel_loop3A_170 = arith.constant 48 : index
        %parallel_loop3A_171 = tpu.vector_load %arg11[%parallel_loop3A_169, %parallel_loop3A_170] {strides = array<i32>} : memref<200x64xf32, #tpu.memory_space<vmem>>, vector<16xf32>,
        %parallel_loop3A_172 = arith.index_cast %parallel_loop3A_147 : i32 to index
        %parallel_loop3A_173 = arith.constant 48 : index
        %parallel_loop3A_174 = tpu.vector_load %arg9[%parallel_loop3A_172, %parallel_loop3A_173] {strides = array<i32>} : memref<200x64xf32, #tpu.memory_space<vmem>>, vector<16xf32>,
        %parallel_loop3A_175 = arith.addf %parallel_loop3A_171, %parallel_loop3A_174 : vector<16xf32>
        %parallel_loop3A_176 = arith.addf %parallel_loop3A_154, %parallel_loop3A_161 : vector<16xf32>
        %parallel_loop3A_177 = arith.addf %parallel_loop3A_168, %parallel_loop3A_175 : vector<16xf32>
        %parallel_loop3A_178 = arith.addf %parallel_loop3A_176, %parallel_loop3A_177 : vector<16xf32>
        %parallel_loop3A_179 = arith.constant true
        %parallel_loop3A_180 = vector.broadcast %parallel_loop3A_179 : i1 to vector<16xi1>
        %parallel_loop3A_181 = tpu.scan <sum>, %parallel_loop3A_178 masked %parallel_loop3A_180 : vector<16xf32>, vector<16xi1> -> vector<16xf32>
        %parallel_loop3A_182 = vector.extract %parallel_loop3A_181[15] : f32 from vector<16xf32>
        %parallel_loop3A_183 = arith.mulf %parallel_loop3A_154, %parallel_loop3A_154 : vector<16xf32>
        %parallel_loop3A_184 = arith.mulf %parallel_loop3A_161, %parallel_loop3A_161 : vector<16xf32>
        %parallel_loop3A_185 = arith.addf %parallel_loop3A_183, %parallel_loop3A_184 : vector<16xf32>
        %parallel_loop3A_186 = arith.mulf %parallel_loop3A_168, %parallel_loop3A_168 : vector<16xf32>
        %parallel_loop3A_187 = arith.mulf %parallel_loop3A_175, %parallel_loop3A_175 : vector<16xf32>
        %parallel_loop3A_188 = arith.addf %parallel_loop3A_186, %parallel_loop3A_187 : vector<16xf32>
        %parallel_loop3A_189 = arith.addf %parallel_loop3A_185, %parallel_loop3A_188 : vector<16xf32>
        %parallel_loop3A_190 = arith.constant true
        %parallel_loop3A_191 = vector.broadcast %parallel_loop3A_190 : i1 to vector<16xi1>
        %parallel_loop3A_192 = tpu.scan <sum>, %parallel_loop3A_189 masked %parallel_loop3A_191 : vector<16xf32>, vector<16xi1> -> vector<16xf32>
        %parallel_loop3A_193 = vector.extract %parallel_loop3A_192[15] : f32 from vector<16xf32>
        %parallel_loop3A_194 = arith.constant 1.562500e-02 : f32
        %parallel_loop3A_195 = arith.mulf %parallel_loop3A_182, %parallel_loop3A_194 : f32
        %parallel_loop3A_196 = arith.constant 1.562500e-02 : f32
        %parallel_loop3A_197 = arith.mulf %parallel_loop3A_193, %parallel_loop3A_196 : f32
        %parallel_loop3A_198 = arith.mulf %parallel_loop3A_195, %parallel_loop3A_195 : f32
        %parallel_loop3A_199 = arith.subf %parallel_loop3A_197, %parallel_loop3A_198 : f32
        %parallel_loop3A_200 = arith.constant 0.000000e+00 : f32
        %parallel_loop3A_201 = arith.maximumf %parallel_loop3A_199, %parallel_loop3A_200 : f32
        %parallel_loop3A_202 = arith.constant 9.99999996E-13 : f32
        %parallel_loop3A_203 = arith.addf %parallel_loop3A_201, %parallel_loop3A_202 : f32
        %parallel_loop3A_204 = arith.bitcast %parallel_loop3A_203 : f32 to i32
        %parallel_loop3A_205 = arith.constant 1 : i32
        %parallel_loop3A_206 = arith.shrsi %parallel_loop3A_204, %parallel_loop3A_205 : i32
        %parallel_loop3A_207 = arith.constant 1597463007 : i32
        %parallel_loop3A_208 = arith.subi %parallel_loop3A_207, %parallel_loop3A_206 : i32
        %parallel_loop3A_209 = arith.bitcast %parallel_loop3A_208 : i32 to f32
        %parallel_loop3A_210 = arith.constant 5.000000e-01 : f32
        %parallel_loop3A_211 = arith.mulf %parallel_loop3A_210, %parallel_loop3A_203 : f32
        %parallel_loop3A_212 = arith.mulf %parallel_loop3A_211, %parallel_loop3A_209 : f32
        %parallel_loop3A_213 = arith.mulf %parallel_loop3A_212, %parallel_loop3A_209 : f32
        %parallel_loop3A_214 = arith.constant 1.500000e+00 : f32
        %parallel_loop3A_215 = arith.subf %parallel_loop3A_214, %parallel_loop3A_213 : f32
        %parallel_loop3A_216 = arith.mulf %parallel_loop3A_209, %parallel_loop3A_215 : f32
        %parallel_loop3A_217 = arith.constant 5.000000e-01 : f32
        %parallel_loop3A_218 = arith.mulf %parallel_loop3A_217, %parallel_loop3A_203 : f32
        %parallel_loop3A_219 = arith.mulf %parallel_loop3A_218, %parallel_loop3A_216 : f32
        %parallel_loop3A_220 = arith.mulf %parallel_loop3A_219, %parallel_loop3A_216 : f32
        %parallel_loop3A_221 = arith.constant 1.500000e+00 : f32
        %parallel_loop3A_222 = arith.subf %parallel_loop3A_221, %parallel_loop3A_220 : f32
        %parallel_loop3A_223 = arith.mulf %parallel_loop3A_216, %parallel_loop3A_222 : f32
        %parallel_loop3A_224 = arith.constant 5.000000e-01 : f32
        %parallel_loop3A_225 = arith.mulf %parallel_loop3A_224, %parallel_loop3A_203 : f32
        %parallel_loop3A_226 = arith.mulf %parallel_loop3A_225, %parallel_loop3A_223 : f32
        %parallel_loop3A_227 = arith.mulf %parallel_loop3A_226, %parallel_loop3A_223 : f32
        %parallel_loop3A_228 = arith.constant 1.500000e+00 : f32
        %parallel_loop3A_229 = arith.subf %parallel_loop3A_228, %parallel_loop3A_227 : f32
        %parallel_loop3A_230 = arith.mulf %parallel_loop3A_223, %parallel_loop3A_229 : f32
        %parallel_loop3A_231 = vector.broadcast %parallel_loop3A_195 : f32 to vector<16xf32>
        %parallel_loop3A_232 = arith.subf %parallel_loop3A_154, %parallel_loop3A_231 : vector<16xf32>
        %parallel_loop3A_233 = vector.broadcast %parallel_loop3A_230 : f32 to vector<16xf32>
        %parallel_loop3A_234 = arith.mulf %parallel_loop3A_232, %parallel_loop3A_233 : vector<16xf32>
        %parallel_loop3A_235 = arith.mulf %parallel_loop3A_234, %get3A_3 : vector<16xf32>
        %parallel_loop3A_236 = arith.addf %parallel_loop3A_235, %get3A_11 : vector<16xf32>
        %parallel_loop3A_237 = arith.constant 64 : i32
        %parallel_loop3A_238 = arith.muli %parallel_loop3A_147, %parallel_loop3A_237 : i32
        %parallel_loop3A_239 = arith.constant 0 : i32
        %parallel_loop3A_240 = arith.addi %parallel_loop3A_238, %parallel_loop3A_239 : i32
        %parallel_loop3A_241 = arith.index_cast %parallel_loop3A_240 : i32 to index
        %parallel_loop3A_242 = tpu.vector_load %arg13[%parallel_loop3A_241] {strides = array<i32>} : memref<12800xf32, #tpu.memory_space<vmem>>, vector<16xf32>,
        tpu.vector_store %arg13[%parallel_loop3A_241], %parallel_loop3A_236 {strides = array<i32>} : memref<12800xf32, #tpu.memory_space<vmem>>, vector<16xf32>,
        %parallel_loop3A_243 = vector.broadcast %parallel_loop3A_195 : f32 to vector<16xf32>
        %parallel_loop3A_244 = arith.subf %parallel_loop3A_161, %parallel_loop3A_243 : vector<16xf32>
        %parallel_loop3A_245 = vector.broadcast %parallel_loop3A_230 : f32 to vector<16xf32>
        %parallel_loop3A_246 = arith.mulf %parallel_loop3A_244, %parallel_loop3A_245 : vector<16xf32>
        %parallel_loop3A_247 = arith.mulf %parallel_loop3A_246, %get3A_5 : vector<16xf32>
        %parallel_loop3A_248 = arith.addf %parallel_loop3A_247, %get3A_13 : vector<16xf32>
        %parallel_loop3A_249 = arith.constant 64 : i32
        %parallel_loop3A_250 = arith.muli %parallel_loop3A_147, %parallel_loop3A_249 : i32
        %parallel_loop3A_251 = arith.constant 16 : i32
        %parallel_loop3A_252 = arith.addi %parallel_loop3A_250, %parallel_loop3A_251 : i32
        %parallel_loop3A_253 = arith.index_cast %parallel_loop3A_252 : i32 to index
        %parallel_loop3A_254 = tpu.vector_load %arg13[%parallel_loop3A_253] {strides = array<i32>} : memref<12800xf32, #tpu.memory_space<vmem>>, vector<16xf32>,
        tpu.vector_store %arg13[%parallel_loop3A_253], %parallel_loop3A_248 {strides = array<i32>} : memref<12800xf32, #tpu.memory_space<vmem>>, vector<16xf32>,
        %parallel_loop3A_255 = vector.broadcast %parallel_loop3A_195 : f32 to vector<16xf32>
        %parallel_loop3A_256 = arith.subf %parallel_loop3A_168, %parallel_loop3A_255 : vector<16xf32>
        %parallel_loop3A_257 = vector.broadcast %parallel_loop3A_230 : f32 to vector<16xf32>
        %parallel_loop3A_258 = arith.mulf %parallel_loop3A_256, %parallel_loop3A_257 : vector<16xf32>
        %parallel_loop3A_259 = arith.mulf %parallel_loop3A_258, %get3A_7 : vector<16xf32>
        %parallel_loop3A_260 = arith.addf %parallel_loop3A_259, %get3A_15 : vector<16xf32>
        %parallel_loop3A_261 = arith.constant 64 : i32
        %parallel_loop3A_262 = arith.muli %parallel_loop3A_147, %parallel_loop3A_261 : i32
        %parallel_loop3A_263 = arith.constant 32 : i32
        %parallel_loop3A_264 = arith.addi %parallel_loop3A_262, %parallel_loop3A_263 : i32
        %parallel_loop3A_265 = arith.index_cast %parallel_loop3A_264 : i32 to index
        %parallel_loop3A_266 = tpu.vector_load %arg13[%parallel_loop3A_265] {strides = array<i32>} : memref<12800xf32, #tpu.memory_space<vmem>>, vector<16xf32>,
        tpu.vector_store %arg13[%parallel_loop3A_265], %parallel_loop3A_260 {strides = array<i32>} : memref<12800xf32, #tpu.memory_space<vmem>>, vector<16xf32>,
        %parallel_loop3A_267 = vector.broadcast %parallel_loop3A_195 : f32 to vector<16xf32>
        %parallel_loop3A_268 = arith.subf %parallel_loop3A_175, %parallel_loop3A_267 : vector<16xf32>
        %parallel_loop3A_269 = vector.broadcast %parallel_loop3A_230 : f32 to vector<16xf32>
        %parallel_loop3A_270 = arith.mulf %parallel_loop3A_268, %parallel_loop3A_269 : vector<16xf32>
        %parallel_loop3A_271 = arith.mulf %parallel_loop3A_270, %get3A_9 : vector<16xf32>
        %parallel_loop3A_272 = arith.addf %parallel_loop3A_271, %get3A_17 : vector<16xf32>
        %parallel_loop3A_273 = arith.constant 64 : i32
        %parallel_loop3A_274 = arith.muli %parallel_loop3A_147, %parallel_loop3A_273 : i32
        %parallel_loop3A_275 = arith.constant 48 : i32
        %parallel_loop3A_276 = arith.addi %parallel_loop3A_274, %parallel_loop3A_275 : i32
        %parallel_loop3A_277 = arith.index_cast %parallel_loop3A_276 : i32 to index
        %parallel_loop3A_278 = tpu.vector_load %arg13[%parallel_loop3A_277] {strides = array<i32>} : memref<12800xf32, #tpu.memory_space<vmem>>, vector<16xf32>,
        tpu.vector_store %arg13[%parallel_loop3A_277], %parallel_loop3A_272 {strides = array<i32>} : memref<12800xf32, #tpu.memory_space<vmem>>, vector<16xf32>,
      } {sc.loop_unroll_factor = 4 : i64, sc.parallel_access}
      %add3A_140 = arith.addi %mul3A_2, %add3A_67 : i32
      %mul3A_141 = arith.constant 200 : i32
      %mul3A_142 = arith.muli %add3A_140, %mul3A_141 : i32
      %mul3A_143 = arith.constant 64 : i32
      %mul3A_144 = arith.muli %mul3A_142, %mul3A_143 : i32
      %dma_start3A_145 = tpu.memref_slice %arg7[%mul3A_144] : memref<52428800xf32, #tpu.memory_space<hbm>> -> memref<12800xf32, #tpu.memory_space<hbm>>
      %dma_start3A_146 = tpu.memref_slice %arg7[%mul3A_144] : memref<52428800xf32, #tpu.memory_space<hbm>> -> memref<12800xf32, #tpu.memory_space<hbm>>
      tpu.enqueue_dma source(%arg13 : memref<12800xf32, #tpu.memory_space<vmem>>) target(%dma_start3A_146 : memref<12800xf32, #tpu.memory_space<hbm>>) target_semaphore(%arg19 : memref<!tpu.dma_semaphore, #tpu.memory_space<semaphore_mem>>)
    }
    %scan3A_40 = arith.constant 64 : i32
    %add3A_41 = arith.constant 128 : i32
    %add3A_42 = arith.addi %mul3A_2, %add3A_41 : i32
    %sub3A = arith.constant 2 : i32
    %sub3A_43 = arith.subi %add3A_42, %sub3A : i32
    %mul3A_44 = arith.constant 200 : i32
    %mul3A_45 = arith.muli %sub3A_43, %mul3A_44 : i32
    %mul3A_46 = arith.constant 64 : i32
    %mul3A_47 = arith.muli %mul3A_45, %mul3A_46 : i32
    %dma_wait3A = tpu.memref_slice %arg7[%mul3A_47] : memref<52428800xf32, #tpu.memory_space<hbm>> -> memref<12800xf32, #tpu.memory_space<hbm>>
    %dma_wait3A_48 = tpu.memref_slice %arg7[%mul3A_47] : memref<52428800xf32, #tpu.memory_space<hbm>> -> memref<12800xf32, #tpu.memory_space<hbm>>
    tpu.wait_dma2 semaphore(%arg18 : memref<!tpu.dma_semaphore, #tpu.memory_space<semaphore_mem>>) src(%arg12 : memref<12800xf32, #tpu.memory_space<vmem>>) dst(%dma_wait3A_48 : memref<12800xf32, #tpu.memory_space<hbm>>)
    %add3A_49 = arith.constant 128 : i32
    %add3A_50 = arith.addi %mul3A_2, %add3A_49 : i32
    %sub3A_51 = arith.constant 1 : i32
    %sub3A_52 = arith.subi %add3A_50, %sub3A_51 : i32
    %mul3A_53 = arith.constant 200 : i32
    %mul3A_54 = arith.muli %sub3A_52, %mul3A_53 : i32
    %mul3A_55 = arith.constant 64 : i32
    %mul3A_56 = arith.muli %mul3A_54, %mul3A_55 : i32
    %dma_wait3A_57 = tpu.memref_slice %arg7[%mul3A_56] : memref<52428800xf32, #tpu.memory_space<hbm>> -> memref<12800xf32, #tpu.memory_space<hbm>>
    %dma_wait3A_58 = tpu.memref_slice %arg7[%mul3A_56] : memref<52428800xf32, #tpu.memory_space<hbm>> -> memref<12800xf32, #tpu.memory_space<hbm>>
    tpu.wait_dma2 semaphore(%arg19 : memref<!tpu.dma_semaphore, #tpu.memory_space<semaphore_mem>>) src(%arg13 : memref<12800xf32, #tpu.memory_space<vmem>>) dst(%dma_wait3A_58 : memref<12800xf32, #tpu.memory_space<hbm>>)
    return
  }
}

</mosaic_0001>

<sc_bundles>
// kernel: kernel.3.cloned.1.call-start
scs
__scs_entry_jumppad:
0x0: {  	(pc) =	sbr.rel $0x88, $3  }
0x1: {  	(tag) =	ssettag $0x0;
	lr =	simm.s32 $0x1  }
0x2: {  	[smem:$0x3F9C] =	sst lr;
	_ =	strace $0xD0000000  }
0x3: {  	_ = 	snop  }
0x4: {  	_ = 	snop  }
0x5: {  	_ = 	snop  }
0x6: {  	_ = 	snop  }
0x7: {  	_ = 	snop  }
__scs_overlays_trampoline_lowered:
0x8: {  	[smem:$0x3FAB] =	sst s0  }
0x9: {  	[smem:$0x3FAC] =	sst s1  }
0xa: {  	[smem:$0x3FAD] =	sst s2  }
0xb: {  	[smem:$0x3FAE] =	sst s3  }
0xc: {  	[smem:$0x3FAF] =	sst s4  }
0xd: {  	[smem:$0x3FB0] =	sst s5  }
0xe: {  	[smem:$0x3FB1] =	sst s6  }
0xf: {  	[smem:$0x3FB2] =	sst s7  }
0x10: {  	[smem:$0x3FB3] =	sst s8  }
0x11: {  	[smem:$0x3FB4] =	sst s9;
	s0 =	simm.s32 @!p0 $0x0  }
0x12: {  	s1 =	sld [smem:$0x3F9A];
	s0 =	simm.s32 @p0 $0x1  }
0x13: {  	[smem:$0x3FB5] =	sst s0;
	s0 =	simm.s32 @!p1 $0x0  }
0x14: {  	s2 =	sld [smem:$0x3F99];
	s0 =	simm.s32 @p1 $0x1  }
0x15: {  	[smem:$0x3FB6] =	sst s0;
	s0 =	simm.s32 @!p2 $0x0  }
0x16: {  	s3 =	sld [smem:$0x3FDB];
	s0 =	simm.s32 @p2 $0x1  }
0x17: {  	s4 =	simm.s32 $0x1BF5;
	[smem:$0x3FB8] =	sst s0  }
0x18: {  	s0 =	sld [smem:$0x3F9B];
	_ =	swait.ge [sflag:s4], $0x0  }
0x19: {  	s7 =	sld [smem:$0x3F9C]  }
0x1a: {  	s8 =	sadd.s32 $0xFFFFE003, lr  }
0x1b: {  	s9 =	sadd.s32 $0xFFFFFEF7, lr;
	s5 =	simm.s32 $0xFFFFFFFF;
	p2 =	slt.u32 s8, $0xFFFFF086  }
0x1c: {  	p1 =	slt.u32 s9, $0xF7A;
	s5 =	simm.s32 @!p2 $0x0  }
0x1d: {  	s5 =	simm.s32 @p1 $0x1;
	p0 =	seq.s32 s7, s2  }
0x1e: {  	s7 =	smul.u32 @!p0 $0xF7A, s2;
	p2 =	seq.s32 @!p0 s5, $0x0  }
0x1f: {  	s9 =	smul.u32 $0xF7A, s1;
	s8 =	simm.s32 @!p0 $0x1BF5;
	p2 =	por !p2, p0  }
0x20: {  	[sflag:s8] =	ssyncset.s32 @!p0 $0xFFFFF086;
	s6 =	sadd.s32 @!p0 s3, s7;
	s7 =	simm.s32 @!p0 $0x108  }
0x21: {  	s3 =	sadd.s32 s3, s9;
	s6 =	sadd.s32 @!p0 $0x88, s6;
	s7 =	simm.s32 @p2 $0x1082  }
0x22: {  	[simem:s7], [sflag:s8] =	dma.local @!p0 [hbm:s6], $0xF7A  }
0x23: {  	s9 =	sor.u32 $0xD0000000, s2;
	s6 =	simm.s32 $0x108;
	_ =	swait.ge @!p0 [sflag:s8], $0x0  }
0x24: {  	s3 =	sadd.s32 $0x88, s3;
	s6 =	simm.s32 @!p1 $0x1082;
	[sflag:s4] =	ssyncset.s32 $0xFFFFF086  }
0x25: {  	[simem:s6], [sflag:s4] =	dma.local [hbm:s3], $0xF7A  }
0x26: {  	[smem:$0x3F9C] =	sst s1;
	(tag) =	ssettag s2;
	_ =	strace s9  }
0x27: {  	s1 =	sld [smem:$0x3FAC]  }
0x28: {  	s2 =	sld [smem:$0x3FAD]  }
0x29: {  	s4 =	sld [smem:$0x3FAF]  }
0x2a: {  	p0 =	seq.s32 s5, $0x0;
	s5 =	sld [smem:$0x3FB0]  }
0x2b: {  	s6 =	sld [smem:$0x3FB1]  }
0x2c: {  	s7 =	sld [smem:$0x3FB2]  }
0x2d: {  	s3 =	simm.s32 $0x108;
	s8 =	sld [smem:$0x3FB3]  }
0x2e: {  	s3 =	simm.s32 @!p0 $0x1082;
	s9 =	sld [smem:$0x3FB4]  }
0x2f: {  	lr =	sadd.s32 s0, s3;
	s0 =	sld [smem:$0x3FAB]  }
0x30: {  	s3 =	sld [smem:$0x3FAE]  }
0x31: {  	[smem:$0x3FB7] =	sst s10  }
0x32: {  	s10 =	sld [smem:$0x3FB5];
	_ =	sdelay $0x3  }
0x33: {  	p0 =	seq.s32 s10, $0x1;
	s10 =	sld [smem:$0x3FB7];
	_ =	sdelay $0x3  }
0x34: {  	[smem:$0x3FB7] =	sst s10  }
0x35: {  	s10 =	sld [smem:$0x3FB6];
	_ =	sdelay $0x3  }
0x36: {  	p1 =	seq.s32 s10, $0x1;
	s10 =	sld [smem:$0x3FB7];
	_ =	sdelay $0x3  }
0x37: {  	[smem:$0x3FB7] =	sst s10  }
0x38: {  	s10 =	sld [smem:$0x3FB8]  }
0x39: {  	_ = 	snop;
	(pc) =	sbr.ind lr, $3  }
0x3a: {  	_ = 	snop  }
0x3b: {  	_ = 	snop  }
0x3c: {  	p2 =	seq.s32 s10, $0x1;
	s10 =	sld [smem:$0x3FB7]  }
0x3d: {  	_ =	shalt  }
0x3e: {  	_ =	shalt  }
0x3f: {  	_ =	shalt  }
0x40: {  	_ =	shalt  }
0x41: {  	_ =	shalt  }
0x42: {  	_ =	shalt  }
0x43: {  	_ =	shalt  }
0x44: {  	_ =	shalt  }
0x45: {  	_ =	shalt  }
0x46: {  	_ =	shalt  }
0x47: {  	_ =	shalt  }
0x48: {  	_ =	shalt  }
0x49: {  	_ =	shalt  }
0x4a: {  	_ =	shalt  }
0x4b: {  	_ =	shalt  }
0x4c: {  	_ =	shalt  }
0x4d: {  	_ =	shalt  }
0x4e: {  	_ =	shalt  }
0x4f: {  	_ =	shalt  }
0x50: {  	_ =	shalt  }
0x51: {  	_ =	shalt  }
0x52: {  	_ =	shalt  }
0x53: {  	_ =	shalt  }
0x54: {  	_ =	shalt  }
0x55: {  	_ =	shalt  }
0x56: {  	_ =	shalt  }
0x57: {  	_ =	shalt  }
0x58: {  	_ =	shalt  }
0x59: {  	_ =	shalt  }
0x5a: {  	_ =	shalt  }
0x5b: {  	_ =	shalt  }
0x5c: {  	_ =	shalt  }
0x5d: {  	_ =	shalt  }
0x5e: {  	_ =	shalt  }
0x5f: {  	_ =	shalt  }
0x60: {  	_ =	shalt  }
0x61: {  	_ =	shalt  }
0x62: {  	_ =	shalt  }
0x63: {  	_ =	shalt  }
0x64: {  	_ =	shalt  }
0x65: {  	_ =	shalt  }
0x66: {  	_ =	shalt  }
0x67: {  	_ =	shalt  }
0x68: {  	_ =	shalt  }
0x69: {  	_ =	shalt  }
0x6a: {  	_ =	shalt  }
0x6b: {  	_ =	shalt  }
0x6c: {  	_ =	shalt  }
0x6d: {  	_ =	shalt  }
0x6e: {  	_ =	shalt  }
0x6f: {  	_ =	shalt  }
0x70: {  	_ =	shalt  }
0x71: {  	_ =	shalt  }
0x72: {  	_ =	shalt  }
0x73: {  	_ =	shalt  }
0x74: {  	_ =	shalt  }
0x75: {  	_ =	shalt  }
0x76: {  	_ =	shalt  }
0x77: {  	_ =	shalt  }
0x78: {  	_ =	shalt  }
0x79: {  	_ =	shalt  }
0x7a: {  	_ =	shalt  }
0x7b: {  	_ =	shalt  }
0x7c: {  	_ =	shalt  }
0x7d: {  	_ =	shalt  }
0x7e: {  	_ =	shalt  }
0x7f: {  	_ =	shalt  }
0x80: {  	_ =	shalt  }
0x81: {  	_ =	shalt  }
0x82: {  	_ =	shalt  }
0x83: {  	_ =	shalt  }
0x84: {  	_ =	shalt  }
0x85: {  	_ =	shalt  }
0x86: {  	_ =	shalt  }
0x87: {  	_ =	shalt  }
.Lfunc_end0:
.L_simem_size_0:
called_computation.1_lowered:
.L_overlay_start_0:
0x88: {  	s2 =	sld [smem:$0x3FD9]  }
0x89: {  	s3 =	sld [smem:$0x3FFE];
	_ =	sdelay $0x1  }
0x8a: {  	s1 =	srdreg.scid  }
0x8b: {  	s0 =	sand.u32 $0x1, s1  }
0x8c: {  	s17 =	sshll.u32 s0, $0xA;
	s2 =	sadd.s32 s3, s2  }
0x8d: {  	s2 =	sadd.s32 s2, s17  }
0x8e: {  	[smem:$0x3FC3] =	sst s2  }
0x8f: {  	_ = 	snop  }
0x90: {  	s2 =	sld [smem:$0x3FC6]  }
0x91: {  	s18 =	sld [smem:$0x3FC5]  }
0x92: {  	s4 =	sld [smem:$0x3FD0];
	(tm) =	ssettm $0x1  }
0x93: {  	s5 =	sld [smem:$0x3FFB];
	_ =	sdelay $0x3  }
0x94: {  	_ =	strace s5  }
0x95: {  	s5 =	sld [smem:$0x3FFC];
	_ =	sdelay $0x3  }
0x96: {  	_ =	strace s5  }
0x97: {  	s5 =	sld [smem:$0x3FFD];
	_ =	sdelay $0x3  }
0x98: {  	_ =	strace s5  }
0x99: {  	_ =	strace $0x8FFFFFFF  }
0x9a: {  	s19 =	sld [smem:$0x3FDB];
	_ =	sdelay $0x1  }
0x9b: {  	s6 =	simm.s32 $_scs_section_size  }
0x9c: {  	s7 =	simm.s32 $_size__tile_overlayer_lowered;
	s8 =	simm.s32 $_tile_overlayer_lowered  }
0x9d: {  	s22 =	simm.s32 $0x1BFF;
	s21 =	sshll.u32 s8, $0x1;
	s5 =	sadd.s32 s6, s19  }
0x9e: {  	s9 =	simm.s32 $0x0;
	s20 =	sshll.u32 s7, $0x1;
	s7 =	sadd.s32 s21, s5  }
0x9f: {  	[timem:s9], [sflag:s22] =	dma.local [hbm:s7], s20  }
0xa0: {  	_ =	swait.ge [sflag:s22], s20  }
0xa1: {  	s6 =	ssub.s32 $0x0, s20;
	[sflag:s22] =	ssyncset.done $0x0  }
0xa2: {  	[sflag:s22] =	ssyncadd.s32 s6;
	_ =	sdelay $0x1  }
0xa3: {  	s23 =	simm.s32 $0x1B8B  }
0xa4: {  	_ =	swait.ge [sflag:s23], $0x1  }
0xa5: {  	[sflag:s23] =	ssyncset.done $0x0  }
0xa6: {  	s25 =	simm.s32 $0x1B8E;
	s24 =	sld [smem:$0x3FFE];
	[sflag:s23] =	ssyncadd.s32 $0xFFFFFFFF  }
0xa7: {  	s26 =	simm.s32 $execute0_lowered;
	[smem:$0x3FD2] =	sst s25  }
0xa8: {  	s7 =	sshll.u32 s26, $0x1;
	_ =	strace $0x80000046;
	[dreg:$0x1] =	wrdreg $0xFFFFFFFF  }
0xa9: {  	s28 =	simm.s32 $_size_execute0_lowered;
	s5 =	sadd.s32 s5, s7;
	[dreg:$0x0] =	wrdreg $0x0  }
0xaa: {  	s7 =	sshll.u32 s28, $0x1;
	[dreg:$0x2] =	wrdreg s5  }
0xab: {  	[dreg:$0x3] =	wrdreg s7  }
0xac: {  	[dreg:$0x4] =	wrdreg $0xC0  }
0xad: {  	_ =	task [dreg:s9], $0x5FFFF  }
0xae: {  	[dreg:$0x1] =	wrdreg $0xFFFFFFFF  }
0xaf: {  	[dreg:$0x0] =	wrdreg $0x60  }
0xb0: {  	[dreg:$0x2] =	wrdreg s24  }
0xb1: {  	[dreg:$0x3] =	wrdreg s2  }
0xb2: {  	[dreg:$0x4] =	wrdreg s18  }
0xb3: {  	[dreg:$0x5] =	wrdreg s4  }
0xb4: {  	[dreg:$0x6] =	wrdreg $0x9  }
0xb5: {  	_ =	task.clear_ibuf [dreg:s9], $0x7FFFF;
	_ =	strace $0x90000046  }
0xb6: {  	s29 =	simm.s32 $0x9;
	_ =	strace $0x80000048  }
0xb7: {  	_ =	swait.ge [sflag:s29], $0x1  }
0xb8: {  	[sflag:s29] =	ssyncadd.s32 $0xFFFFFFFF  }
0xb9: {  	_ =	strace $0x90000048  }
0xba: {  	_ =	sfence  }
0xbb: {  	s30 =	sld [smem:$0x0];
	_ =	sdelay $0x2  }
0xbc: {  	s31 =	sshll.u32 s1, $0xD;
	s1 =	sshrl.u32 s1, $0x2  }
0xbd: {  	s3 =	sand.u32 $0x4000, s31;
	s1 =	sadd.s32 s1, s30  }
0xbe: {  	s0 =	sor.u32 s3, s0;
	s1 =	sshll.u32 s1, $0x11  }
0xbf: {  	s0 =	sor.u32 s1, s0  }
0xc0: {  	s0 =	sadd.s32 $0x8F2B, s0  }
0xc1: {  	[sflag:s0] =	ssyncadd.remote.s32 $0x1  }
0xc2: {  	_ =	sfence.sel $0xFFFF  }
0xc3: {  	[dreg:$0x0] =	wrdreg $0xFFFFFFFF;
	(pc) =	sbr.abs _section_cstart, $3  }
0xc4: {  	[dreg:$0x1] =	wrdreg $0xFFFFFFFF  }
0xc5: {  	_ =	task.clear_ibuf [dreg:s9], $0x2FFFF;
	_ =	strace $0x9FFFFFFF  }
0xc6: {  	(tm) =	ssettm $0x7FFFFFFF  }
0xc7: {  	_ =	shalt  }
tec
execute0_lowered:
.L_overlay_start_1:
0x0: {  	(tag) =	ssettag $0x1  }
0x1: {  	s1 =	srdreg.scid  }
0x2: {  	s0 =	rddreg [dreg:$0x0];
	s2 =	stileid.u32;
	s1 =	sand.u32 $0x1, s1  }
0x3: {  	s4 =	rddreg [dreg:$0x3];
	s2 =	sshll.u32 s2, $0x8;
	s3 =	sshll.u32 s1, $0x7  }
0x4: {  	s5 =	simm.s32 $0x0;
	s15 =	simm.s32 $0x68;
	s6 =	sor.u32 s3, s2  }
0x5: {  	s17 =	simm.s32 $0x60;
	[smem:$0x7FF] =	sst s5;
	s2 =	smul.u32 $0x19, s6  }
0x6: {  	s7 =	sadd.s32 $0x1A800, s0;
	_ =	strace $0x80000047;
	s1 =	ssub.s32 $0x2, s1  }
0x7: {  	s29 =	sshrl.u32 s1, $0x1;
	s2 =	sadd.s32 s2, s0;
	s0 =	sadd.s32 $0x800, s0  }
0x8: {  	s30 =	ssub.s32 s1, s29;
	[dreg:$0x5] =	wrdreg s0;
	s31 =	sadd.s32 $0x1800, s2  }
0x9: {  	s21 =	simm.s32 $0x1;
	s0 =	smax.u32 s30, $0x1;
	[dreg:$0x6] =	wrdreg s31  }
0xa: {  	s23 =	simm.s32 $0x2;
	s2 =	simm.s32 $0x0;
	[dreg:$0x7] =	wrdreg s0  }
.LBB2_1:
0xb: {  	[dreg:$0x8] =	wrdreg s2  }
0xc: {  	s0 =	rddreg [dreg:$0x6];
	s1 =	simm.s32 $0x5  }
0xd: {  	[tilespmem:s5], [sflag:$0x5] =	stream.linear.gather [hbm4b:s0+s5], $0x6400, $0x38;
	[tilespmem:$0x15E80] =	vst v63  }
0xe: {  	_ =	swait.ge [sflag:s1], $0x6400  }
0xf: {  	[sflag:s1] =	ssyncset.done $0x0  }
0x10: {  	s22 =	simm.s32 $0x6400;
	s20 =	rddreg [dreg:$0x5];
	[sflag:s1] =	ssyncadd.s32 $0xFFFF9C00  }
0x11: {  	[tilespmem:s22], [sflag:$0x5] =	stream.linear.gather [hbm4b:s20+s5], $0x3200, $0x38;
	[tilespmem:$0x15E80] =	vst v63  }
0x12: {  	_ =	swait.ge [sflag:s1], $0x3200  }
0x13: {  	[sflag:s1] =	ssyncset.done $0x0  }
0x14: {  	[sflag:s1] =	ssyncadd.s32 $0xFFFFCE00  }
0x15: {  	s25 =	simm.s32 $0x15E00;
	s24 =	rddreg [dreg:$0x1]  }
0x16: {  	[tilespmem:s25], [sflag:$0x5] =	stream.linear.gather [hbm4b:s24+s5], $0x40, $0x38;
	[tilespmem:$0x15E80] =	vst v63  }
0x17: {  	_ =	swait.ge [sflag:s1], $0x40  }
0x18: {  	[sflag:s1] =	ssyncset.done $0x0  }
0x19: {  	[sflag:s1] =	ssyncadd.s32 $0xFFFFFFC0  }
0x1a: {  	s28 =	simm.s32 $0x15E40;
	s26 =	rddreg [dreg:$0x2]  }
0x1b: {  	[tilespmem:s28], [sflag:$0x5] =	stream.linear.gather [hbm4b:s26+s5], $0x40, $0x38;
	[tilespmem:$0x15E80] =	vst v63  }
0x1c: {  	_ =	swait.ge [sflag:s1], $0x40  }
0x1d: {  	[sflag:s1] =	ssyncset.done $0x0  }
0x1e: {  	[sflag:s1] =	ssyncadd.s32 $0xFFFFFFC0  }
0x1f: {  	v0 =	vld [tilespmem:$0x15E00]  }
0x20: {  	v61 =	vld [tilespmem:$0x15E10]  }
0x21: {  	v62 =	vld [tilespmem:$0x15E20]  }
0x22: {  	v63 =	vld [tilespmem:$0x15E30]  }
0x23: {  	v4 =	vld [tilespmem:$0x15E40]  }
0x24: {  	v5 =	vld [tilespmem:$0x15E50]  }
0x25: {  	s30 =	simm.s32 $0x9600;
	v6 =	vld [tilespmem:$0x15E60]  }
0x26: {  	v7 =	vld [tilespmem:$0x15E70];
	[tilespmem:s30], [sflag:$0x1] =	stream.indirect.gather [hbm4b:s7+s15], $0x40, s5, s15, $0xb8  }
0x27: {  	s31 =	simm.s32 $0xB000  }
0x28: {  	[tilespmem:s31], [sflag:$0x1] =	stream.indirect.gather [hbm4b:s7+s17], $0x40, s15, s17, $0xb8;
	[tilespmem:$0x15E80] =	vst v63  }
0x29: {  	[tilespmem:$0x1FFC0] =	vst v0  }
0x2a: {  	[tilespmem:$0x1FFD0] =	vst v61  }
0x2b: {  	[tilespmem:$0x1FFE0] =	vst v62  }
0x2c: {  	s29 =	simm.s32 $0x0;
	[tilespmem:$0x1FFF0] =	vst v63  }
.LBB2_2:
0x2d: {  	p0 =	seq.s32 s29, $0x0  }
0x2e: {  	s30 =	sshllo.u32 s29, $0x1;
	s0 =	simm.s32 @!p0 $0x4  }
0x2f: {  	s1 =	smul.u32 $0x320, s30;
	_ =	swait.ge @!p0 [sflag:s0], $0x3200  }
0x30: {  	[sflag:s0] =	ssyncset.done @!p0 $0x0  }
0x31: {  	s18 =	simm.s32 $0xC800;
	s16 =	sshra.s32 s1, $0x2;
	[sflag:s0] =	ssyncadd.s32 @!p0 $0xFFFFCE00  }
0x32: {  	[tilespmem:s18], [sflag:$0x2] =	stream.indirect.gather [hbm4b:s7+s15], $0x40, s16, s15, $0xb8;
	[tilespmem:$0x15E80] =	vst v63  }
0x33: {  	s19 =	simm.s32 $0xE200;
	s0 =	sadd.s32 $0x68, s16  }
0x34: {  	[tilespmem:s19], [sflag:$0x2] =	stream.indirect.gather [hbm4b:s7+s17], $0x40, s0, s17, $0xb8;
	[tilespmem:$0x15E80] =	vst v63  }
0x35: {  	_ =	swait.ge [sflag:s21], $0x1A00  }
0x36: {  	[sflag:s21] =	ssyncset.done $0x0  }
0x37: {  	[sflag:s21] =	ssyncadd.s32 $0xFFFFE600  }
0x38: {  	_ =	swait.ge [sflag:s21], $0x1800  }
0x39: {  	[sflag:s21] =	ssyncset.done $0x0  }
0x3a: {  	s20 =	simm.s32 $0x9680;
	[sflag:s21] =	ssyncadd.s32 $0xFFFFE800  }
0x3b: {  	s22 =	simm.s32 $0x6480;
	v8 =	vld [tilespmem:s20+$0x40]  }
0x3c: {  	v9 =	vld [tilespmem:s22+$0x40]  }
0x3d: {  	v11 =	vld [tilespmem:s20+$0x50]  }
0x3e: {  	v12 =	vld [tilespmem:s22+$0x50]  }
0x3f: {  	v13 =	vld [tilespmem:s20+$0x60]  }
0x40: {  	v14 =	vld [tilespmem:s22+$0x60]  }
0x41: {  	v15 =	vld [tilespmem:s20+$0x70]  }
0x42: {  	v16 =	vld [tilespmem:s22+$0x70];
	_ =	sdelay $0x1  }
0x43: {  	v17 =	vld [tilespmem:s22+$0xFFFFFF80]  }
0x44: {  	v20 =	vld [tilespmem:s22+$0xFFFFFFA0]  }
0x45: {  	v23 =	vld [tilespmem:s20+$0xFFFFFFB0];
	v10 =	vadd.f32 v9, v8;
	v9 =	vadd.f32 v12, v11  }
0x46: {  	v24 =	vld [tilespmem:s22+$0xFFFFFFE0];
	v8 =	vadd.f32 v14, v13;
	v11 =	vadd.f32 v16, v15  }
0x47: {  	v25 =	vld [tilespmem:s20+$0xFFFFFFF0];
	v14 =	vmul.f32 v10, v10;
	v15 =	vmul.f32 v9, v9  }
0x48: {  	v26 =	vld [tilespmem:s22+$0xFFFFFFF0];
	v18 =	vmul.f32 v8, v8;
	v19 =	vmul.f32 v11, v11  }
0x49: {  	v27 =	vld [tilespmem:s22+$0xFFFFFFB0];
	v21 =	vadd.f32 v9, v10;
	v22 =	vadd.f32 v11, v8  }
0x4a: {  	v28 =	vld [tilespmem:s20+$0x0];
	v14 =	vadd.f32 v15, v14;
	v15 =	vadd.f32 v19, v18  }
0x4b: {  	v12 =	vld [tilespmem:s20+$0xFFFFFF90];
	v19 =	vadd.f32 v22, v21  }
0x4c: {  	v18 =	vld [tilespmem:s20+$0xFFFFFFC0];
	v14 =	vadd.f32 v15, v14  }
0x4d: {  	v21 =	vld [tilespmem:s22+$0xFFFFFFC0];
	(xrf2) =	vadd.scan.msk.f32 $0xffff, v19  }
0x4e: {  	v15 =	vld [tilespmem:s20+$0xFFFFFFD0];
	(xrf2) =	vadd.scan.msk.f32 $0xffff, v14  }
0x4f: {  	v19 =	vld [tilespmem:s22+$0xFFFFFFD0]  }
0x50: {  	v22 =	vld [tilespmem:s20+$0xFFFFFFE0]  }
0x51: {  	v13 =	vld [tilespmem:s22+$0xFFFFFF90]  }
0x52: {  	v16 =	vld [tilespmem:s20+$0xFFFFFFA0]  }
0x53: {  	v29 =	vld [tilespmem:s22+$0x0]  }
0x54: {  	v14 =	vadd.f32 v19, v15;
	v19 =	vld [tilespmem:s20+$0x10]  }
0x55: {  	v18 =	vadd.f32 v21, v18;
	v15 =	vadd.f32 v24, v22;
	v22 =	vld [tilespmem:s22+$0x10]  }
0x56: {  	v32 =	vld [tilespmem:s22+$0x20];
	v13 =	vadd.f32 v13, v12;
	v12 =	vadd.f32 v26, v25  }
0x57: {  	v25 =	vld [tilespmem:s20+$0xFFFFFF80];
	v16 =	vadd.f32 v20, v16;
	v24 =	vadd.f32 v14, v18;
	v21, _, _ =	vpop (xrf2)  }
0x58: {  	v26 =	vld [tilespmem:s20+$0x20];
	v35 =	vmul.f32 v12, v12;
	v30 =	vadd.f32 v12, v15;
	(v2sf) =	vpush v21, $0xF;
	v21, _, _ =	vpop (xrf2)  }
0x59: {  	v34 =	vld [tilespmem:s20+$0x30];
	v20 =	vmul.f32 v18, v18;
	v31 =	vmul.f32 v14, v14;
	(v2sf) =	vpush v21, $0xF  }
0x5a: {  	v33 =	vmul.f32 v15, v15;
	v24 =	vadd.f32 v30, v24;
	v30 =	vld [tilespmem:s22+$0x30];
	v22 =	vadd.f32 v22, v19  }
0x5b: {  	v21 =	vadd.f32 v27, v23;
	v27 =	vadd.f32 v31, v20  }
0x5c: {  	v31 =	vadd.f32 v35, v33;
	v23 =	vadd.f32 v17, v25  }
0x5d: {  	v19 =	vadd.f32 v32, v26;
	(xrf2) =	vadd.scan.msk.f32 $0xffff, v24;
	v24 =	vadd.f32 v21, v16  }
0x5e: {  	v25 =	vadd.f32 v31, v27;
	v27 =	vadd.f32 v13, v23  }
0x5f: {  	v26 =	vmul.f32 v16, v16;
	v20 =	vadd.f32 v29, v28;
	v17 =	vadd.f32 v30, v34  }
0x60: {  	v28 =	vmul.f32 v13, v13;
	v31 =	vmul.f32 v23, v23;
	(xrf2) =	vadd.scan.msk.f32 $0xffff, v25;
	v24 =	vadd.f32 v24, v27  }
0x61: {  	v29 =	vadd.f32 v22, v20;
	v30 =	vadd.f32 v17, v19;
	v25 =	vmul.f32 v21, v21  }
0x62: {  	v28 =	vadd.f32 v28, v31;
	(xrf2) =	vadd.scan.msk.f32 $0xffff, v24  }
0x63: {  	v27 =	vmul.f32 v20, v20;
	v29 =	vadd.f32 v30, v29;
	v24 =	vadd.f32 v25, v26  }
0x64: {  	v50 =	vmul.f32 v17, v17  }
0x65: {  	v25 =	vmul.f32 v22, v22;
	v26 =	vmul.f32 v19, v19;
	(xrf2) =	vadd.scan.msk.f32 $0xffff, v29;
	v24 =	vadd.f32 v24, v28;
	_ =	sdelay $0x1  }
0x66: {  	v25 =	vadd.f32 v25, v27;
	v26 =	vadd.f32 v50, v26;
	v27, _, _ =	vpop (xrf2);
	(xrf2) =	vadd.scan.msk.f32 $0xffff, v24;
	s24 =	spop (v2sf)  }
0x67: {  	(v2sf) =	vpush v27, $0xF;
	s1 =	smul.f32 $1.562500000e-02, s24;
	s25 =	spop (v2sf)  }
0x68: {  	v25 =	vadd.f32 v26, v25;
	s0 =	smul.f32 $1.562500000e-02, s25  }
0x69: {  	v24, _, _ =	vpop (xrf2);
	s2 =	smul.f32 s1, s1  }
0x6a: {  	(xrf2) =	vadd.scan.msk.f32 $0xffff, v25;
	(v2sf) =	vpush v24, $0xF  }
0x6b: {  	s3 =	simm.s32 $0x9780;
	v24, _, _ =	vpop (xrf2);
	s2 =	ssub.f32 s0, s2  }
0x6c: {  	v52 =	vld [tilespmem:s3+$0xFFFFFF90];
	(v2sf) =	vpush v24, $0xF  }
0x6d: {  	v31 =	vld [tilespmem:s3+$0x70];
	s2 =	smax.f32 s2, $0.0e+00  }
0x6e: {  	v29 =	vld [tilespmem:s3+$0x60];
	v28, _, _ =	vpop (xrf2);
	s2 =	sadd.f32 $9.999999960e-13, s2  }
0x6f: {  	s26 =	simm.s32 $0x6580;
	v26 =	vld [tilespmem:s3+$0x50];
	(v2sf) =	vpush v28, $0xF  }
0x70: {  	v27 =	vld [tilespmem:s26+$0x50];
	v30, _, _ =	vpop (xrf2);
	s8 =	sshra.s32 s2, $0x1;
	s11 =	smul.f32 $5.000000000e-01, s2  }
0x71: {  	v25 =	vld [tilespmem:s3+$0x40];
	(v2sf) =	vpush v30, $0xF;
	s8 =	ssub.s32 $0x5F3759DF, s8  }
0x72: {  	v24 =	vld [tilespmem:s26+$0x40];
	s2 =	smul.f32 s8, s11  }
0x73: {  	v28 =	vld [tilespmem:s26+$0x60]  }
0x74: {  	v30 =	vld [tilespmem:s26+$0x70];
	v51, _, _ =	vpop (xrf2);
	s2 =	smul.f32 s8, s2  }
0x75: {  	v53 =	vld [tilespmem:s26+$0xFFFFFF90];
	(v2sf) =	vpush v51, $0xF  }
0x76: {  	v39 =	vld [tilespmem:s3+$0xFFFFFFA0];
	s9 =	spop (v2sf);
	s10 =	ssub.f32 $1.500000000e+00, s2  }
0x77: {  	v42 =	vld [tilespmem:s3+$0xFFFFFFD0];
	s2 =	smul.f32 $1.562500000e-02, s9  }
0x78: {  	v54 =	vld [tilespmem:s3+$0xFFFFFFE0];
	v0 =	vadd.f32 v27, v26;
	v1 =	vadd.f32 v24, v25;
	s8 =	smul.f32 s8, s10  }
0x79: {  	v55 =	vld [tilespmem:s26+$0xFFFFFFE0];
	v2 =	vadd.f32 v28, v29;
	v36 =	vadd.f32 v30, v31;
	s16 =	spop (v2sf);
	s14 =	smul.f32 s2, s2  }
0x7a: {  	v43 =	vld [tilespmem:s26+$0xFFFFFFF0];
	v26 =	vmul.f32 v0, v0;
	v25 =	vmul.f32 v1, v1;
	v40 =	vadd.f32 v0, v1;
	s13 =	smul.f32 $1.562500000e-02, s16  }
0x7b: {  	v44 =	vld [tilespmem:s26+$0xFFFFFFB0];
	v29 =	vmul.f32 v2, v2;
	v30 =	vmul.f32 v36, v36;
	v41 =	vadd.f32 v36, v2;
	s18 =	spop (v2sf);
	s12 =	smul.f32 s8, s11  }
0x7c: {  	v58 =	vld [tilespmem:s3+$0x20];
	v25 =	vadd.f32 v26, v25;
	s9 =	smul.f32 $1.562500000e-02, s18  }
0x7d: {  	v61 =	vld [tilespmem:s26+$0x20];
	v26 =	vadd.f32 v30, v29;
	v30 =	vadd.f32 v41, v40;
	s10 =	ssub.f32 s13, s14;
	s12 =	smul.f32 s12, s8  }
0x7e: {  	v27 =	vld [tilespmem:s3+$0xFFFFFFC0];
	s14 =	spop (v2sf);
	s19 =	smul.f32 s9, s9  }
0x7f: {  	v24 =	vld [tilespmem:s26+$0xFFFFFFA0];
	v25 =	vadd.f32 v26, v25;
	(xrf2) =	vadd.scan.msk.f32 $0xffff, v30;
	s20 =	smax.f32 s10, $0.0e+00;
	s10 =	smul.f32 $1.562500000e-02, s14  }
0x80: {  	v31 =	vld [tilespmem:s26+$0xFFFFFFC0];
	s22 =	spop (v2sf);
	s12 =	ssub.f32 $1.500000000e+00, s12  }
0x81: {  	v29 =	vld [tilespmem:s26+$0xFFFFFFD0];
	(xrf2) =	vadd.scan.msk.f32 $0xffff, v25;
	s14 =	smul.f32 $1.562500000e-02, s22  }
0x82: {  	v30 =	vld [tilespmem:s3+$0xFFFFFFF0];
	s8 =	smul.f32 s12, s8  }
0x83: {  	v28 =	vld [tilespmem:s3+$0xFFFFFFB0];
	s16 =	smul.f32 s10, s10;
	s12 =	sadd.f32 $9.999999960e-13, s20  }
0x84: {  	v45 =	vld [tilespmem:s3+$0x0];
	s18 =	spop (v2sf);
	s11 =	smul.f32 s8, s11  }
0x85: {  	v46 =	vld [tilespmem:s26+$0x0];
	v33 =	vadd.f32 v61, v58;
	s13 =	ssub.f32 s14, s19;
	s18 =	smul.f32 $1.562500000e-02, s18  }
0x86: {  	v56 =	vld [tilespmem:s26+$0x10];
	v31 =	vadd.f32 v31, v27;
	v25 =	vadd.f32 v55, v54;
	s25 =	sshra.s32 s12, $0x1;
	s12 =	smul.f32 $5.000000000e-01, s12  }
0x87: {  	v32 =	vld [tilespmem:s26+$0xFFFFFF80];
	v26 =	vadd.f32 v29, v42;
	v62 =	vadd.f32 v43, v30;
	s13 =	smax.f32 s13, $0.0e+00;
	s14 =	ssub.s32 $0x5F3759DF, s25;
	s16 =	ssub.f32 s18, s16  }
0x88: {  	v24 =	vadd.f32 v24, v39;
	v28 =	vadd.f32 v44, v28;
	v30 =	vld [tilespmem:s3+$0xFFFFFF80];
	s13 =	sadd.f32 $9.999999960e-13, s13;
	s24 =	smul.f32 s14, s12  }
0x89: {  	v42 =	vld [tilespmem:s3+$0x10];
	v57 =	vadd.f32 v26, v31;
	v43 =	vadd.f32 v62, v25;
	v49, _, _ =	vpop (xrf2);
	s11 =	smul.f32 s11, s8;
	s16 =	smax.f32 s16, $0.0e+00  }
0x8a: {  	v50 =	vld [tilespmem:s3+$0x30];
	v47 =	vadd.f32 v28, v24;
	v59 =	vmul.f32 v31, v31;
	(v2sf) =	vpush v49, $0xF;
	s25 =	smul.f32 s14, s24;
	s28 =	sadd.f32 $9.999999960e-13, s16  }
0x8b: {  	v29 =	vadd.f32 v53, v52;
	v52 =	vld [tilespmem:s26+$0x30];
	v60 =	vmul.f32 v26, v26;
	v39 =	vadd.f32 v43, v57;
	v38, _, _ =	vpop (xrf2);
	s19 =	sshra.s32 s13, $0x1;
	s16 =	smul.f32 $5.000000000e-01, s13  }
0x8c: {  	v48 =	vmul.f32 v25, v25;
	v37 =	vmul.f32 v62, v62;
	(v2sf) =	vpush v38, $0xF;
	s20 =	ssub.s32 $0x5F3759DF, s19;
	s22 =	sshra.s32 s28, $0x1;
	s13 =	smul.f32 $5.000000000e-01, s28  }
0x8d: {  	v63 =	vadd.f32 v60, v59;
	v51 =	vadd.f32 v32, v30;
	(xrf2) =	vadd.scan.msk.f32 $0xffff, v39;
	s24 =	smul.f32 s20, s16;
	s26 =	ssub.s32 $0x5F3759DF, s22  }
0x8e: {  	v34 =	vadd.f32 v56, v42;
	v30 =	vadd.f32 v37, v48;
	s0 =	smul.f32 s26, s13  }
0x8f: {  	v32 =	vadd.f32 v46, v45;
	v48 =	vadd.f32 v29, v51;
	s11 =	ssub.f32 $1.500000000e+00, s11;
	s18 =	smul.f32 s20, s24  }
0x90: {  	v49 =	vadd.f32 v30, v63;
	v30 =	vadd.f32 v52, v50;
	s3 =	ssub.f32 $1.500000000e+00, s25;
	s31 =	smul.f32 s26, s0  }
0x91: {  	v54 =	vmul.f32 v28, v28;
	v42 =	vadd.f32 v34, v32;
	s0 =	smul.f32 s11, s8;
	s28 =	ssub.f32 $1.500000000e+00, s18  }
0x92: {  	v50 =	vmul.f32 v29, v29;
	v39 =	vadd.f32 v47, v48;
	v53 =	vadd.f32 v30, v33;
	s11 =	smul.f32 s14, s3  }
0x93: {  	v52 =	vmul.f32 v24, v24;
	v57 =	vmul.f32 v51, v51;
	(xrf2) =	vadd.scan.msk.f32 $0xffff, v49;
	s18 =	ssub.f32 $1.500000000e+00, s31;
	s14 =	smul.f32 s20, s28  }
0x94: {  	v56 =	vmul.f32 v34, v34;
	(xrf2) =	vadd.scan.msk.f32 $0xffff, v39;
	v42 =	vadd.f32 v53, v42;
	s20 =	smul.f32 s11, s12  }
0x95: {  	v55 =	vmul.f32 v32, v32;
	v41 =	vadd.f32 v50, v57;
	v39 =	vadd.f32 v54, v52;
	s18 =	smul.f32 s26, s18  }
0x96: {  	v58 =	vmul.f32 v33, v33;
	v59 =	vmul.f32 v30, v30;
	(xrf2) =	vadd.scan.msk.f32 $0xffff, v42;
	s19 =	smul.f32 s14, s16  }
0x97: {  	v44 =	vadd.f32 v56, v55;
	v39 =	vadd.f32 v39, v41;
	v60, _, _ =	vpop (xrf2);
	s28 =	smul.f32 s20, s11  }
0x98: {  	v40 =	vadd.f32 v59, v58;
	(v2sf) =	vpush v60, $0xF;
	s22 =	smul.f32 s18, s13  }
0x99: {  	(xrf2) =	vadd.scan.msk.f32 $0xffff, v39;
	s24 =	smul.f32 s19, s14;
	s19 =	spop (v2sf)  }
0x9a: {  	v63 =	vmov s2;
	v40 =	vadd.f32 v40, v44;
	s3 =	smul.f32 $1.562500000e-02, s19  }
0x9b: {  	v3 =	vsub.f32 v18, v63;
	s8 =	simm.s32 $0x9880;
	s25 =	smul.f32 s22, s18;
	s19 =	spop (v2sf)  }
0x9c: {  	v41 =	vsub.f32 v14, v63;
	v14 =	vmov s9;
	(xrf2) =	vadd.scan.msk.f32 $0xffff, v40;
	v54 =	vld [tilespmem:s8+$0x40];
	s31 =	simm.s32 $0x6680;
	s22 =	ssub.f32 $1.500000000e+00, s24;
	s20 =	smul.f32 $1.562500000e-02, s19  }
0x9d: {  	v49 =	vsub.f32 v23, v14;
	v55 =	vld [tilespmem:s31+$0x40];
	[tilespmem:$0x1FFB0] =	vst v3;
	v61, _, _ =	vpop (xrf2);
	s28 =	ssub.f32 $1.500000000e+00, s28;
	s24 =	smul.f32 s3, s3  }
0x9e: {  	v47 =	vsub.f32 v13, v14;
	v18 =	vld [tilespmem:s8+$0x50];
	(v2sf) =	vpush v61, $0xF;
	v35, _, _ =	vpop (xrf2);
	s9 =	smul.f32 s22, s14;
	s25 =	ssub.f32 $1.500000000e+00, s25  }
0x9f: {  	v40 =	vsub.f32 v15, v63;
	v15 =	vld [tilespmem:s31+$0x50];
	(v2sf) =	vpush v35, $0xF;
	s14 =	smul.f32 s28, s11  }
0xa0: {  	v50 =	vsub.f32 v16, v14;
	v48 =	vsub.f32 v21, v14;
	v13 =	vld [tilespmem:s8+$0x60];
	v14, _, _ =	vpop (xrf2);
	s26 =	ssub.f32 s20, s24;
	s2 =	smul.f32 s25, s18  }
0xa1: {  	v42 =	vsub.f32 v12, v63;
	v21 =	vmov s10;
	v16 =	vld [tilespmem:s31+$0x60];
	(v2sf) =	vpush v14, $0xF;
	s18 =	smul.f32 s9, s16  }
0xa2: {  	v44 =	vsub.f32 v20, v21;
	v43 =	vsub.f32 v22, v21;
	v12 =	vld [tilespmem:s8+$0x70];
	v14 =	vmov s1;
	s20 =	smul.f32 s14, s12;
	s11 =	smax.f32 s26, $0.0e+00  }
0xa3: {  	v46 =	vsub.f32 v19, v21;
	v20 =	vld [tilespmem:s31+$0x70];
	v56 =	vsub.f32 v10, v14;
	v10, _, _ =	vpop (xrf2);
	s19 =	sadd.f32 $9.999999960e-13, s11;
	s13 =	smul.f32 s2, s13  }
0xa4: {  	v45 =	vsub.f32 v17, v21;
	v21 =	vld [tilespmem:s8+$0xFFFFFFA0];
	(v2sf) =	vpush v10, $0xF;
	s11 =	smul.f32 s18, s9  }
0xa5: {  	v23 =	vld [tilespmem:s31+$0xFFFFFFA0];
	s22 =	sshra.s32 s19, $0x1;
	s12 =	smul.f32 $5.000000000e-01, s19  }
0xa6: {  	v27 =	vld [tilespmem:s31+$0xFFFFFFF0];
	v52 =	vsub.f32 v9, v14;
	v9, _, _ =	vpop (xrf2);
	s10 =	smul.f32 s20, s14;
	s11 =	ssub.f32 $1.500000000e+00, s11;
	s16 =	ssub.s32 $0x5F3759DF, s22  }
0xa7: {  	v61 =	vld [tilespmem:s8+$0xFFFFFFF0];
	(v2sf) =	vpush v9, $0xF;
	s24 =	spop (v2sf);
	s1 =	smul.f32 s16, s12  }
0xa8: {  	v3 =	vld [tilespmem:$0x1FFF0];
	v19 =	vsub.f32 v11, v14;
	s18 =	smul.f32 $1.562500000e-02, s24  }
0xa9: {  	v22 =	vld [tilespmem:s8+$0xFFFFFF90];
	v53 =	vsub.f32 v8, v14;
	v11 =	vadd.f32 v15, v18;
	s24 =	ssub.f32 $1.500000000e+00, s10;
	s10 =	smul.f32 s11, s9  }
0xaa: {  	v17 =	vld [tilespmem:s31+$0xFFFFFF90];
	v8 =	vadd.f32 v16, v13;
	v14 =	vadd.f32 v20, v12;
	s1 =	smul.f32 s16, s1  }
0xab: {  	v21 =	vadd.f32 v23, v21;
	v15 =	vld [tilespmem:s8+$0xFFFFFFB0];
	v9 =	vadd.f32 v55, v54;
	v18 =	vmul.f32 v11, v11;
	s9 =	smul.f32 s24, s14  }
0xac: {  	v12 =	vld [tilespmem:s31+$0xFFFFFFB0];
	v27 =	vadd.f32 v27, v61;
	v20 =	vmul.f32 v8, v8;
	v57 =	vmul.f32 v14, v14;
	s25 =	ssub.f32 $1.500000000e+00, s1;
	s1 =	smul.f32 s13, s2  }
0xad: {  	v37 =	vld [tilespmem:s8+$0xFFFFFFC0];
	v13 =	vmul.f32 v9, v9;
	v55 =	vadd.f32 v11, v9;
	v16 =	vmov s18;
	s26 =	spop (v2sf);
	s13 =	smul.f32 s18, s18  }
0xae: {  	v58 =	vld [tilespmem:s31+$0xFFFFFFC0];
	v56 =	vmul.f32 s0, v56;
	v10 =	vsub.f32 v31, v16;
	v31 =	vadd.f32 v14, v8;
	s28 =	spop (v2sf);
	s18 =	smul.f32 $1.562500000e-02, s26  }
0xaf: {  	v59 =	vld [tilespmem:s8+$0xFFFFFFD0];
	v52 =	vmul.f32 s0, v52;
	v13 =	vadd.f32 v18, v13;
	v18 =	vadd.f32 v57, v20;
	s19 =	smul.f32 $1.562500000e-02, s28  }
0xb0: {  	v38 =	vld [tilespmem:s31+$0xFFFFFFD0];
	v53 =	vmul.f32 s0, v53;
	v20 =	vadd.f32 v17, v22;
	v17 =	vadd.f32 v31, v55;
	s16 =	smul.f32 s16, s25;
	s22 =	spop (v2sf)  }
0xb1: {  	v39 =	vld [tilespmem:s8+$0xFFFFFFE0];
	v22 =	vadd.f32 v12, v15;
	v15 =	vmul.f32 v21, v21;
	v49 =	vmul.f32 s10, v49;
	s1 =	ssub.f32 $1.500000000e+00, s1;
	s26 =	smul.f32 $1.562500000e-02, s22  }
0xb2: {  	v60 =	vld [tilespmem:s31+$0xFFFFFFE0];
	v18 =	vadd.f32 v18, v13;
	v47 =	vmul.f32 s10, v47;
	v50 =	vmul.f32 s10, v50;
	s13 =	ssub.f32 s18, s13;
	(xrf2) =	vadd.scan.msk.f32 $0xffff, v17;
	s20 =	smul.f32 s16, s12  }
0xb3: {  	v63 =	vld [tilespmem:s8+$0x20];
	v13 =	vsub.f32 v26, v16;
	v12 =	vsub.f32 v25, v16;
	v17 =	vmov s19;
	s22 =	spop (v2sf);
	s2 =	smul.f32 s1, s2  }
0xb4: {  	v54 =	vld [tilespmem:s8+$0x0];
	v48 =	vmul.f32 s10, v48;
	v16 =	vsub.f32 v62, v16;
	v26 =	vsub.f32 v51, v17;
	s13 =	smax.f32 s13, $0.0e+00;
	s24 =	smul.f32 s26, s26  }
0xb5: {  	v57 =	vld [tilespmem:s8+$0x10];
	v31 =	vmul.f32 v22, v22;
	v25 =	vsub.f32 v29, v17;
	v29 =	vadd.f32 v58, v37;
	s13 =	sadd.f32 $9.999999960e-13, s13;
	s25 =	smul.f32 s20, s16  }
0xb6: {  	v62 =	vld [tilespmem:s31+$0x10];
	(xrf2) =	vadd.scan.msk.f32 $0xffff, v18;
	v23 =	vsub.f32 v24, v17;
	v24 =	vsub.f32 v28, v17;
	v58 =	vmov s26;
	s26 =	spop (v2sf);
	s20 =	smul.f32 s19, s19  }
0xb7: {  	v28 =	vld [tilespmem:s31+$0x0];
	v51 =	vadd.f32 v31, v15;
	v31 =	vadd.f32 v38, v59;
	v18 =	vmul.f32 s0, v19;
	s19 =	smul.f32 $1.562500000e-02, s26;
	s25 =	ssub.f32 $1.500000000e+00, s25  }
0xb8: {  	v37 =	vld [tilespmem:s31+$0x20];
	v59 =	vmul.f32 v29, v29;
	v15 =	vsub.f32 v32, v58;
	v32 =	vadd.f32 v60, v39;
	s14 =	smul.f32 $5.000000000e-01, s13  }
0xb9: {  	v55 =	vadd.f32 v31, v29;
	v35 =	vmul.f32 v31, v31;
	v19 =	vsub.f32 v34, v58;
	v60 =	vld [tilespmem:s8+$0x30];
	s11 =	smul.f32 s25, s16  }
0xba: {  	v17 =	vsub.f32 v33, v58;
	v61 =	vmul.f32 v18, v3;
	v18 =	vsub.f32 v30, v58;
	v58 =	vld [tilespmem:s31+$0x30];
	s28 =	sshra.s32 s13, $0x1;
	s16 =	smul.f32 $1.562500000e-02, s22  }
0xbb: {  	v59 =	vadd.f32 v35, v59;
	v34 =	vadd.f32 v27, v32;
	v35 =	vmul.f32 v32, v32;
	s13 =	ssub.s32 $0x5F3759DF, s28;
	s18 =	ssub.f32 s19, s24;
	s12 =	smul.f32 s11, s12  }
0xbc: {  	v30 =	vadd.f32 v28, v54;
	v28 =	vadd.f32 v62, v57;
	v57 =	vmul.f32 v27, v27;
	s16 =	ssub.f32 s16, s20;
	s20 =	smul.f32 s13, s14;
	v38, _, _ =	vpop (xrf2)  }
0xbd: {  	v41 =	vmul.f32 s9, v41;
	v33 =	vadd.f32 v37, v63;
	s12 =	smul.f32 s12, s11;
	(v2sf) =	vpush v38, $0xF;
	v38 =	vld [tilespmem:s8+$0xFFFFFF80];
	s8 =	smax.f32 s18, $0.0e+00  }
0xbe: {  	v54 =	vld [tilespmem:s31+$0xFFFFFF80];
	v37 =	vmov s3;
	v55 =	vadd.f32 v34, v55;
	v57 =	vadd.f32 v57, v35;
	s22 =	smul.f32 s13, s20;
	s24 =	sadd.f32 $9.999999960e-13, s8  }
0xbf: {  	v35 =	vmul.f32 v30, v30;
	v34 =	vadd.f32 v58, v60;
	v58 =	vmul.f32 v28, v28;
	s19 =	smax.f32 s16, $0.0e+00;
	s12 =	ssub.f32 $1.500000000e+00, s12  }
0xc0: {  	v40 =	vmul.f32 s9, v40;
	v63 =	vsub.f32 v0, v37;
	v60 =	vsub.f32 v1, v37;
	v39, _, _ =	vpop (xrf2);
	s0 =	ssub.f32 $1.500000000e+00, s22;
	s18 =	smul.f32 $5.000000000e-01, s24  }
0xc1: {  	v42 =	vmul.f32 s9, v42;
	v0 =	vld [tilespmem:$0x1FFC0];
	v58 =	vadd.f32 v58, v35;
	(v2sf) =	vpush v39, $0xF;
	s3 =	smul.f32 s12, s11;
	s11 =	sadd.f32 $9.999999960e-13, s19  }
0xc2: {  	v48 =	vmul.f32 v48, v3;
	v1 =	vld [tilespmem:$0x1FFD0];
	v39 =	vsub.f32 v36, v37;
	v36 =	vadd.f32 v28, v30;
	s28 =	sshra.s32 s24, $0x1;
	s13 =	smul.f32 s13, s0  }
0xc3: {  	v44 =	vmul.f32 s2, v44;
	s16 =	ssub.s32 $0x5F3759DF, s28;
	v35 =	vadd.f32 v54, v38;
	v54 =	vadd.f32 v34, v33;
	s25 =	sshra.s32 s11, $0x1;
	s8 =	smul.f32 $5.000000000e-01, s11  }
0xc4: {  	v43 =	vmul.f32 s2, v43;
	v62 =	vadd.f32 v22, v21;
	v37 =	vsub.f32 v2, v37;
	s20 =	smul.f32 s16, s18;
	s26 =	ssub.s32 $0x5F3759DF, s25  }
0xc5: {  	v46 =	vmul.f32 s2, v46;
	v2 =	vld [tilespmem:$0x1FFE0];
	v36 =	vadd.f32 v54, v36;
	v54 =	vadd.f32 v20, v35;
	s19 =	smul.f32 s26, s8  }
0xc6: {  	v45 =	vmul.f32 s2, v45;
	v56 =	vmul.f32 v56, v0;
	s25 =	smul.f32 s13, s14  }
0xc7: {  	(xrf2) =	vadd.scan.msk.f32 $0xffff, v55;
	v49 =	vmul.f32 v49, v0;
	v38 =	vmul.f32 v52, v1;
	v54 =	vadd.f32 v62, v54;
	v62 =	vld [tilespmem:$0x1FFB0];
	s12 =	smul.f32 s26, s19  }
0xc8: {  	v52 =	vadd.f32 v57, v59;
	v57 =	vmul.f32 v33, v33;
	v59 =	vmul.f32 v34, v34;
	s19 =	smul.f32 s16, s20  }
0xc9: {  	v61 =	vadd.f32 v61, v7;
	v47 =	vmul.f32 v47, v1;
	v41 =	vmul.f32 v41, v1;
	s12 =	ssub.f32 $1.500000000e+00, s12  }
0xca: {  	v53 =	vmul.f32 v53, v2;
	v39 =	vmul.f32 s3, v39;
	v55 =	vadd.f32 v59, v57;
	s11 =	smul.f32 s25, s13;
	s22 =	ssub.f32 $1.500000000e+00, s19  }
0xcb: {  	v56 =	vadd.f32 v56, v4;
	(xrf2) =	vadd.scan.msk.f32 $0xffff, v52;
	v52 =	vmul.f32 v20, v20;
	v57 =	vmul.f32 v35, v35;
	s10 =	smul.f32 s26, s12  }
0xcc: {  	s1 =	simm.s32 $0xFA80;
	v40 =	vmul.f32 v40, v2;
	v55 =	vadd.f32 v55, v58;
	(xrf2) =	vadd.scan.msk.f32 $0xffff, v54;
	v58 =	vmul.f32 s9, v62;
	s9 =	smul.f32 s16, s22  }
0xcd: {  	v39 =	vmul.f32 v39, v3;
	v53 =	vadd.f32 v53, v6;
	v52 =	vadd.f32 v52, v57;
	[tilespmem:s1+$0x70] =	vst v61;
	s24 =	smul.f32 s10, s8  }
0xce: {  	v38 =	vadd.f32 v38, v5;
	[tilespmem:s1+$0x40] =	vst v56;
	v56 =	vmul.f32 s3, v63;
	v61 =	vadd.f32 v47, v5;
	s19 =	spop (v2sf);
	s26 =	smul.f32 s9, s18  }
0xcf: {  	v39 =	vadd.f32 v39, v7;
	[tilespmem:s1+$0x60] =	vst v53;
	v53 =	vmul.f32 v50, v2;
	v54 =	vmul.f32 s3, v60;
	s16 =	smul.f32 $1.562500000e-02, s19  }
0xd0: {  	s0 =	simm.s32 $0xFB80;
	[tilespmem:s1+$0x50] =	vst v38;
	v63 =	vadd.f32 v51, v52;
	v51 =	vmul.f32 s3, v37;
	v37 =	vmul.f32 v43, v1;
	s20 =	spop (v2sf);
	s28 =	smul.f32 s24, s10  }
0xd1: {  	v60 =	vadd.f32 v49, v4;
	v38 =	vmul.f32 v56, v1;
	[tilespmem:s0+$0x70] =	vst v39;
	v39 =	vmul.f32 v44, v0;
	v52, _, _ =	vpop (xrf2);
	s22 =	smul.f32 $1.562500000e-02, s20  }
0xd2: {  	(xrf2) =	vadd.scan.msk.f32 $0xffff, v36;
	v36 =	vmul.f32 v45, v3;
	v44 =	vadd.f32 v41, v5;
	(v2sf) =	vpush v52, $0xF;
	s2 =	smul.f32 s26, s9;
	s3 =	ssub.f32 $1.500000000e+00, s28  }
0xd3: {  	s11 =	ssub.f32 $1.500000000e+00, s11;
	[tilespmem:s1+$0xFFFFFF90] =	vst v61;
	v45 =	vadd.f32 v40, v6;
	v43 =	vmul.f32 v54, v0;
	v62 =	vmul.f32 v42, v3;
	s24 =	smul.f32 s16, s16  }
0xd4: {  	(xrf2) =	vadd.scan.msk.f32 $0xffff, v63;
	v63 =	vadd.f32 v53, v6;
	v41 =	vmul.f32 v51, v2;
	v59 =	vmul.f32 v58, v0;
	s28 =	ssub.f32 $1.500000000e+00, s2;
	s25 =	smul.f32 s3, s10  }
0xd5: {  	[tilespmem:s1+$0xFFFFFF80] =	vst v60;
	v42 =	vmul.f32 v46, v2;
	v46 =	vadd.f32 v48, v7;
	s12 =	simm.s32 $0x8;
	v40 =	vadd.f32 v62, v7;
	v57, _, _ =	vpop (xrf2);
	s2 =	sshll.u32 s29, $0x1;
	s10 =	smul.f32 s11, s13  }
0xd6: {  	[tilespmem:s1+$0xFFFFFFA0] =	vst v63;
	(xrf2) =	vadd.scan.msk.f32 $0xffff, v55;
	(v2sf) =	vpush v57, $0xF;
	v47 =	vadd.f32 v59, v4;
	v48, _, _ =	vpop (xrf2);
	s11 =	ssub.f32 s22, s24;
	s13 =	simm.s32 $0x9980;
	s3 =	smul.f32 s28, s9  }
.LBB2_3:
0xd7: {  	v49 =	vld [tilespmem:s13+$0x40]  }
0xd8: {  	v62 =	vld [tilespmem:s13+$0x50]  }
0xd9: {  	v1 =	vld [tilespmem:s13+$0x60]  }
0xda: {  	s31 =	sadd.s32 $0x100, s31;
	(v2sf) =	vpush v48, $0xF;
	v55 =	vld [tilespmem:s13+$0x70];
	s9 =	smax.f32 s11, $0.0e+00;
	s28 =	smul.f32 s25, s8  }
0xdb: {  	v61 =	vld [tilespmem:s31+$0x40];
	s14 =	smul.f32 s10, s14;
	s9 =	sadd.f32 $9.999999960e-13, s9  }
0xdc: {  	s20 =	smul.f32 s3, s18;
	v50 =	vld [tilespmem:s31+$0x50]  }
0xdd: {  	[tilespmem:s1+$0xFFFFFFB0] =	vst v46;
	v2 =	vld [tilespmem:s31+$0x60];
	s22 =	sshra.s32 s9, $0x1;
	s8 =	smul.f32 $5.000000000e-01, s9;
	v63, _, _ =	vpop (xrf2)  }
0xde: {  	[tilespmem:s1+$0xFFFFFFC0] =	vst v47;
	v56 =	vld [tilespmem:s31+$0x70];
	s11 =	smul.f32 s28, s25;
	s18 =	ssub.s32 $0x5F3759DF, s22;
	(v2sf) =	vpush v63, $0xF;
	v54, _, _ =	vpop (xrf2)  }
0xdf: {  	[tilespmem:s1+$0xFFFFFFD0] =	vst v44;
	s19 =	smul.f32 s18, s8;
	(v2sf) =	vpush v54, $0xF  }
0xe0: {  	v42 =	vadd.f32 v42, v6;
	[tilespmem:s1+$0xFFFFFFE0] =	vst v45;
	s9 =	smul.f32 s14, s10  }
0xe1: {  	v38 =	vadd.f32 v38, v5;
	[tilespmem:s1+$0xFFFFFFF0] =	vst v40;
	v58 =	vld [tilespmem:s13+$0xFFFFFF90];
	s19 =	smul.f32 s18, s19;
	s26 =	spop (v2sf)  }
0xe2: {  	v59 =	vld [tilespmem:s31+$0xFFFFFF90];
	[tilespmem:s1+$0x20] =	vst v42;
	v46 =	vadd.f32 v61, v49;
	v42 =	vadd.f32 v50, v62;
	s26 =	smul.f32 $1.562500000e-02, s26  }
0xe3: {  	v60 =	vld [tilespmem:s13+$0xFFFFFFA0];
	[tilespmem:s0+$0x50] =	vst v38;
	s14 =	smul.f32 s20, s3;
	v38 =	vadd.f32 v2, v1;
	v49 =	vadd.f32 v56, v55;
	v57, _, _ =	vpop (xrf2);
	s24 =	ssub.f32 $1.500000000e+00, s19  }
0xe4: {  	v39 =	vadd.f32 v39, v4;
	v53 =	vld [tilespmem:s13+$0xFFFFFFC0];
	(v2sf) =	vpush v57, $0xF;
	s19 =	smul.f32 s26, s26  }
0xe5: {  	v61 =	vld [tilespmem:s31+$0xFFFFFFA0];
	v63 =	vadd.f32 v42, v46;
	v40 =	vadd.f32 v49, v38;
	s20 =	spop (v2sf);
	v51 =	vmov s26;
	s26 =	smul.f32 s18, s24  }
0xe6: {  	v37 =	vadd.f32 v37, v5;
	v43 =	vadd.f32 v43, v4;
	s11 =	ssub.f32 $1.500000000e+00, s11;
	v62 =	vld [tilespmem:s13+$0xFFFFFFB0];
	s22 =	smul.f32 $1.562500000e-02, s20  }
0xe7: {  	v0 =	vadd.f32 v36, v7;
	v55 =	vld [tilespmem:s31+$0xFFFFFFC0];
	v56 =	vadd.f32 v40, v63;
	s24 =	smul.f32 s26, s8  }
0xe8: {  	v41 =	vadd.f32 v41, v6;
	s28 =	ssub.f32 $1.500000000e+00, s9;
	v52 =	vadd.f32 v59, v58;
	v58 =	vld [tilespmem:s31+$0xFFFFFFE0];
	s18 =	smul.f32 s11, s25  }
0xe9: {  	[tilespmem:s1+$0x10] =	vst v37;
	v1 =	vmul.f32 v38, v38;
	v54 =	vmul.f32 v49, v49;
	(xrf2) =	vadd.scan.msk.f32 $0xffff, v56;
	v56 =	vld [tilespmem:s13+$0xFFFFFFE0];
	s20 =	spop (v2sf);
	s25 =	smul.f32 s24, s26  }
0xea: {  	[tilespmem:s1+$0x30] =	vst v0;
	s9 =	ssub.f32 $1.500000000e+00, s14;
	v0 =	vmul.f32 v46, v46;
	v50 =	vmul.f32 v42, v42;
	v48 =	vadd.f32 v61, v60;
	v60 =	vld [tilespmem:s31+$0xFFFFFFD0];
	s14 =	smul.f32 $1.562500000e-02, s20  }
0xeb: {  	[tilespmem:s0+$0x60] =	vst v41;
	s10 =	smul.f32 s28, s10;
	v2 =	vadd.f32 v54, v1;
	v41 =	vsub.f32 v29, v51;
	v29 =	vld [tilespmem:s31+$0xFFFFFFB0];
	s11 =	ssub.f32 $1.500000000e+00, s25  }
0xec: {  	[tilespmem:s0+$0x40] =	vst v43;
	v43 =	vsub.f32 v31, v51;
	v31 =	vld [tilespmem:s13+$0xFFFFFFD0];
	s19 =	ssub.f32 s22, s19;
	v37 =	vmul.f32 s18, v26;
	v26 =	vadd.f32 v50, v0;
	s28 =	smul.f32 s14, s14  }
0xed: {  	v40 =	vmul.f32 v52, v52;
	v44 =	vsub.f32 v32, v51;
	v51 =	vsub.f32 v27, v51;
	s22 =	spop (v2sf);
	s11 =	smul.f32 s11, s26  }
0xee: {  	v32 =	vadd.f32 v58, v56;
	v61 =	vmov s14;
	v0 =	vld [tilespmem:s31+$0xFFFFFFF0];
	v45 =	vadd.f32 v2, v26;
	s14 =	smul.f32 $1.562500000e-02, s22;
	s20 =	spop (v2sf)  }
0xef: {  	[tilespmem:s1+$0x0] =	vst v39;
	v39 =	vmul.f32 s18, v25;
	v25 =	vsub.f32 v20, v61;
	v20 =	vmovc v52;
	v52 =	vld [tilespmem:s13+$0xFFFFFFF0];
	v1 =	vsub.f32 v21, v61;
	s19 =	smax.f32 s19, $0.0e+00;
	s26 =	smul.f32 $1.562500000e-02, s20  }
0xf0: {  	v36 =	vld [tilespmem:s31+$0xFFFFFF80];
	v54 =	vsub.f32 v22, v61;
	s19 =	sadd.f32 $9.999999960e-13, s19;
	v62 =	vadd.f32 v29, v62;
	(xrf2) =	vadd.scan.msk.f32 $0xffff, v45;
	s8 =	smul.f32 s11, s8  }
0xf1: {  	v57 =	vmul.f32 v48, v48;
	v56 =	vld [tilespmem:s13+$0x10];
	v29 =	vadd.f32 v55, v53;
	v31 =	vadd.f32 v60, v31;
	s20 =	smul.f32 s14, s14  }
0xf2: {  	v58 =	vld [tilespmem:s31+$0x10];
	v26 =	vsub.f32 v35, v61;
	v63 =	vmul.f32 v62, v62;
	v59 =	vmov s14;
	s14 =	smul.f32 $5.000000000e-01, s19  }
0xf3: {  	v50 =	vld [tilespmem:s13+$0x0];
	v45 =	vmul.f32 s18, v23;
	v47 =	vadd.f32 v62, v48;
	v55 =	vadd.f32 v31, v29;
	s8 =	smul.f32 s8, s11;
	s22 =	spop (v2sf)  }
0xf4: {  	v21 =	vmovc v48;
	s24 =	sshra.s32 s19, $0x1;
	v2 =	vmul.f32 v29, v29;
	v27 =	vadd.f32 v0, v52;
	v48 =	vadd.f32 v63, v57;
	v57 =	vld [tilespmem:s31+$0x0];
	s26 =	ssub.f32 s26, s28;
	s22 =	smul.f32 $1.562500000e-02, s22  }
0xf5: {  	v35 =	vld [tilespmem:s31+$0x20];
	v23 =	vmovc v1;
	s25 =	ssub.s32 $0x5F3759DF, s24;
	v63 =	vmov s16;
	v60 =	vsub.f32 v30, v59;
	v61 =	vsub.f32 v28, v59;
	s8 =	ssub.f32 $1.500000000e+00, s8  }
0xf6: {  	v1 =	vld [tilespmem:s31+$0x30];
	v22 =	vmovc v62;
	v30 =	vmul.f32 v31, v31;
	v62 =	vsub.f32 v33, v59;
	v28 =	vsub.f32 v14, v63;
	s28 =	smul.f32 s25, s14;
	s24 =	ssub.f32 s22, s20  }
0xf7: {  	v53, _, _ =	vpop (xrf2);
	v33 =	vld [tilespmem:s13+$0x20];
	v59 =	vsub.f32 v34, v59;
	v34 =	vadd.f32 v27, v32;
	s26 =	smax.f32 s26, $0.0e+00;
	s16 =	smul.f32 s8, s11  }
0xf8: {  	v14 =	vmovc v49;
	v49 =	vadd.f32 v30, v2;
	v2 =	vsub.f32 v9, v63;
	v9 =	vmov v46;
	v46 =	vld [tilespmem:s13+$0xFFFFFF80];
	s8 =	sadd.f32 $9.999999960e-13, s26;
	s20 =	smax.f32 s24, $0.0e+00  }
0xf9: {  	v0 =	vmul.f32 s18, v24;
	(v2sf) =	vpush v53, $0xF;
	v30 =	vadd.f32 v57, v50;
	v50 =	vld [tilespmem:s13+$0x30];
	s11 =	smul.f32 s25, s28;
	s18 =	sadd.f32 $9.999999960e-13, s20  }
0xfa: {  	v3 =	vsub.f32 v11, v63;
	v11, _, _ =	vpop (xrf2);
	v57 =	vmul.f32 s16, v28;
	v28 =	vadd.f32 v58, v56;
	s22 =	sshra.s32 s8, $0x1;
	s8 =	smul.f32 $5.000000000e-01, s8;
	v58 =	vld [tilespmem:$0x1FFF0]  }
0xfb: {  	(v2sf) =	vpush v11, $0xF;
	s19 =	ssub.s32 $0x5F3759DF, s22;
	s24 =	sshra.s32 s18, $0x1;
	s18 =	smul.f32 $5.000000000e-01, s18  }
0xfc: {  	v52 =	vmul.f32 v32, v32;
	v24 =	vmovc v54;
	v54 =	vmul.f32 v27, v27;
	v34 =	vadd.f32 v34, v55;
	s26 =	smul.f32 s19, s8;
	s20 =	ssub.s32 $0x5F3759DF, s24  }
0xfd: {  	v33 =	vadd.f32 v35, v33;
	v55 =	vmul.f32 v30, v30;
	s11 =	ssub.f32 $1.500000000e+00, s11;
	v35 =	vmul.f32 v28, v28;
	s28 =	smul.f32 s20, s18  }
0xfe: {  	v52 =	vadd.f32 v54, v52;
	v54 =	vmul.f32 s10, v10;
	(xrf2) =	vadd.scan.msk.f32 $0xffff, v34;
	v34 =	vadd.f32 v1, v50;
	s22 =	smul.f32 s19, s26  }
0xff: {  	v1 =	vadd.f32 v35, v55;
	v35 =	vadd.f32 v36, v46;
	s26 =	smul.f32 s25, s11;
	v57 =	vmul.f32 v57, v58  }
0x100: {  	v10 =	vmovc v41;
	v11 =	vmovc v42;
	v42 =	vmul.f32 s10, v13;
	v41 =	vmul.f32 v33, v33;
	v36 =	vadd.f32 v52, v49;
	s24 =	smul.f32 s20, s28;
	s22 =	ssub.f32 $1.500000000e+00, s22  }
0x101: {  	s1 =	smov.u32 s0;
	v2 =	vmul.f32 s16, v2;
	v56 =	vadd.f32 v20, v35;
	s28 =	smul.f32 s9, s3;
	v57 =	vadd.f32 v57, v7  }
0x102: {  	s0 =	sadd.s32 $0x100, s0;
	v53 =	vadd.f32 v28, v30;
	v52 =	vmul.f32 v34, v34;
	v55 =	vsub.f32 v8, v63;
	(xrf2) =	vadd.scan.msk.f32 $0xffff, v36;
	s25 =	ssub.f32 $1.500000000e+00, s24;
	s9 =	smul.f32 s19, s22  }
0x103: {  	v3 =	vmul.f32 s16, v3;
	v8 =	vmovc v38;
	v38 =	vadd.f32 v47, v56;
	s24 =	smul.f32 s26, s14;
	v56 =	vld [tilespmem:$0x1FFD0];
	[tilespmem:s0+$0x70] =	vst v57;
	v57 =	vmul.f32 v35, v35  }
0x104: {  	v13 =	vmovc v43;
	v43 =	vadd.f32 v34, v33;
	v36 =	vmul.f32 s10, v12;
	v41 =	vadd.f32 v52, v41;
	s3 =	smul.f32 s20, s25  }
0x105: {  	v12 =	vmovc v44;
	v44 =	vmul.f32 s10, v16;
	v46 =	vmul.f32 s28, v15;
	s22 =	smul.f32 s9, s8;
	v40 =	vadd.f32 v40, v57;
	v57 =	vld [tilespmem:$0x1FFE0]  }
0x106: {  	v1 =	vadd.f32 v41, v1;
	v41 =	vmul.f32 s28, v19;
	v47 =	vmul.f32 s28, v17;
	(xrf2) =	vadd.scan.msk.f32 $0xffff, v38;
	s11 =	smul.f32 s24, s26  }
0x107: {  	v38 =	vmul.f32 s28, v18;
	s28 =	smul.f32 s3, s18;
	v40 =	vadd.f32 v48, v40;
	v48 =	vmul.f32 s16, v55;
	v55 =	vld [tilespmem:$0x1FFC0]  }
0x108: {  	v0 =	vmul.f32 v0, v58;
	v43 =	vadd.f32 v43, v53;
	v19 =	vmovc v61;
	s20 =	spop (v2sf);
	s10 =	smul.f32 s22, s9;
	v39 =	vmul.f32 v39, v56  }
0x109: {  	v17 =	vmov v62;
	v62, _, _ =	vpop (xrf2);
	v61 =	vmul.f32 v44, v58;
	v50 =	vmul.f32 v42, v56;
	s16 =	smul.f32 $1.562500000e-02, s20  }
0x10a: {  	s12 =	sadd.s32 $0x4, s12;
	v15 =	vmovc v60;
	(v2sf) =	vpush v62, $0xF;
	v18 =	vmovc v59;
	s19 =	smul.f32 s28, s3;
	s22 =	spop (v2sf);
	v59 =	vadd.f32 v39, v5;
	v63 =	vmul.f32 v45, v57  }
0x10b: {  	p0 =	slt.u32 s12, $0xC4;
	(xrf2) =	vadd.scan.msk.f32 $0xffff, v43;
	s20 =	smul.f32 $1.562500000e-02, s22;
	v44 =	vadd.f32 v50, v5;
	v60 =	vmul.f32 v36, v57;
	v42 =	vmul.f32 v47, v57  }
.Ltmp0:
0x10c: {  	s10 =	ssub.f32 $1.500000000e+00, s10;
	(xrf2) =	vadd.scan.msk.f32 $0xffff, v40;
	v40 =	vadd.f32 v61, v7;
	v62, _, _ =	vpop (xrf2);
	v36 =	vmul.f32 v38, v58;
	v37 =	vmul.f32 v37, v55;
	(pc) =	sbr.rel @p0 .LBB2_3-.Ltmp0, $4  }
0x10d: {  	v16 =	vmovc v51;
	s28 =	ssub.f32 $1.500000000e+00, s11;
	s22 =	smul.f32 s16, s16;
	v38 =	vmul.f32 v3, v56;
	(xrf2) =	vadd.scan.msk.f32 $0xffff, v1;
	(v2sf) =	vpush v62, $0xF;
	v63 =	vadd.f32 v63, v6  }
0x10e: {  	s25 =	smul.f32 s10, s9;
	s24 =	ssub.f32 $1.500000000e+00, s19;
	[tilespmem:s1+$0xFFFFFF90] =	vst v59;
	v49 =	vmul.f32 v54, v55;
	v39 =	vmul.f32 v46, v55;
	v45 =	vadd.f32 v37, v4  }
0x10f: {  	s10 =	smul.f32 s28, s26;
	v43 =	vmul.f32 v2, v55;
	v46 =	vadd.f32 v0, v7;
	v37 =	vmul.f32 v41, v56;
	[tilespmem:s1+$0xFFFFFFA0] =	vst v63  }
0x110: {  	s13 =	sadd.s32 $0x100, s13;
	s11 =	ssub.f32 s20, s22;
	s3 =	smul.f32 s24, s3;
	v41 =	vmul.f32 v48, v57;
	v47 =	vadd.f32 v49, v4;
	v48, _, _ =	vpop (xrf2);
	[tilespmem:s1+$0xFFFFFF80] =	vst v45;
	v45 =	vadd.f32 v60, v6  }
0x111: {  	s8 =	smul.f32 s25, s8  }
0x112: {  	(v2sf) =	vpush v48, $0xF;
	s28 =	smul.f32 s10, s14;
	s9 =	smax.f32 s11, $0.0e+00  }
0x113: {  	s18 =	smul.f32 s3, s18;
	s9 =	sadd.f32 $9.999999960e-13, s9  }
0x114: {  	s8 =	smul.f32 s8, s25  }
0x115: {  	v0, _, _ =	vpop (xrf2);
	s12 =	sshra.s32 s9, $0x1;
	s9 =	smul.f32 $5.000000000e-01, s9  }
0x116: {  	s11 =	smul.f32 s28, s10;
	(v2sf) =	vpush v0, $0xF;
	s12 =	ssub.s32 $0x5F3759DF, s12  }
0x117: {  	v48, _, _ =	vpop (xrf2);
	s13 =	smul.f32 s12, s9  }
0x118: {  	s18 =	smul.f32 s18, s3;
	s8 =	ssub.f32 $1.500000000e+00, s8;
	(v2sf) =	vpush v48, $0xF  }
0x119: {  	v49, _, _ =	vpop (xrf2);
	s13 =	smul.f32 s12, s13  }
0x11a: {  	s14 =	smul.f32 s8, s25;
	(v2sf) =	vpush v49, $0xF  }
0x11b: {  	s20 =	spop (v2sf);
	s13 =	ssub.f32 $1.500000000e+00, s13  }
0x11c: {  	s19 =	smul.f32 $1.562500000e-02, s20  }
0x11d: {  	s13 =	smul.f32 s12, s13  }
0x11e: {  	s20 =	smul.f32 s19, s19  }
0x11f: {  	s22 =	spop (v2sf);
	s24 =	smul.f32 s13, s9  }
0x120: {  	s11 =	ssub.f32 $1.500000000e+00, s11;
	s22 =	smul.f32 $1.562500000e-02, s22  }
0x121: {  	s26 =	spop (v2sf);
	s25 =	smul.f32 s24, s13  }
0x122: {  	s26 =	smul.f32 $1.562500000e-02, s26  }
0x123: {  	s12 =	smul.f32 s11, s10;
	s8 =	ssub.f32 $1.500000000e+00, s25  }
0x124: {  	s10 =	smul.f32 s26, s26  }
0x125: {  	s28 =	spop (v2sf);
	s8 =	smul.f32 s8, s13  }
0x126: {  	s20 =	ssub.f32 s22, s20;
	s25 =	smul.f32 $1.562500000e-02, s28  }
0x127: {  	s22 =	spop (v2sf);
	s9 =	smul.f32 s8, s9  }
0x128: {  	s13 =	smax.f32 s20, $0.0e+00;
	s11 =	smul.f32 $1.562500000e-02, s22  }
0x129: {  	s28 =	spop (v2sf);
	s24 =	smul.f32 s25, s25  }
0x12a: {  	s13 =	sadd.f32 $9.999999960e-13, s13;
	s22 =	smul.f32 $1.562500000e-02, s28  }
0x12b: {  	s9 =	smul.f32 s9, s8;
	s11 =	ssub.f32 s11, s10  }
0x12c: {  	s28 =	sshra.s32 s13, $0x1;
	s10 =	smul.f32 $5.000000000e-01, s13;
	s24 =	ssub.f32 s22, s24  }
0x12d: {  	s28 =	ssub.s32 $0x5F3759DF, s28;
	s9 =	ssub.f32 $1.500000000e+00, s9;
	s20 =	smax.f32 s11, $0.0e+00  }
0x12e: {  	s22 =	smul.f32 s28, s10;
	s13 =	smax.f32 s24, $0.0e+00  }
0x12f: {  	s8 =	smul.f32 s9, s8;
	s9 =	sadd.f32 $9.999999960e-13, s20  }
0x130: {  	[tilespmem:s1+$0xFFFFFFB0] =	vst v46;
	s11 =	smul.f32 s28, s22;
	s20 =	sadd.f32 $9.999999960e-13, s13  }
0x131: {  	[tilespmem:s1+$0xFFFFFFD0] =	vst v44;
	s24 =	sshra.s32 s9, $0x1;
	s13 =	smul.f32 $5.000000000e-01, s9  }
0x132: {  	[tilespmem:s1+$0xFFFFFFF0] =	vst v40;
	s31 =	sshra.s32 s20, $0x1;
	s9 =	smul.f32 $5.000000000e-01, s20;
	s22 =	ssub.s32 $0x5F3759DF, s24  }
0x133: {  	v50 =	vadd.f32 v39, v4;
	v1 =	vadd.f32 v37, v5;
	[tilespmem:s1+$0xFFFFFFC0] =	vst v47;
	s11 =	ssub.f32 $1.500000000e+00, s11;
	s31 =	ssub.s32 $0x5F3759DF, s31;
	s20 =	smul.f32 s22, s13  }
0x134: {  	v2 =	vadd.f32 v42, v6;
	v51 =	vadd.f32 v43, v4;
	[tilespmem:s1+$0xFFFFFFE0] =	vst v45;
	s24 =	smul.f32 s31, s9  }
0x135: {  	v36 =	vadd.f32 v36, v7;
	v38 =	vadd.f32 v38, v5;
	[tilespmem:s1+$0x0] =	vst v50;
	v3 =	vmov s19;
	s11 =	smul.f32 s28, s11  }
0x136: {  	v53 =	vmov s16;
	[tilespmem:s1+$0x10] =	vst v1;
	v26 =	vmul.f32 s14, v26;
	v54 =	vsub.f32 v29, v3;
	s19 =	smul.f32 s22, s20  }
0x137: {  	[tilespmem:s1+$0x20] =	vst v2;
	s18 =	ssub.f32 $1.500000000e+00, s18;
	v29 =	vsub.f32 v31, v3;
	v31 =	vsub.f32 v32, v3;
	v52 =	vmov s26;
	s20 =	smul.f32 s31, s24  }
0x138: {  	[tilespmem:s1+$0x30] =	vst v36;
	v56 =	vsub.f32 v21, v52;
	v21 =	vsub.f32 v22, v52;
	v22 =	vmov s25;
	s25 =	smul.f32 s11, s10  }
0x139: {  	s3 =	smul.f32 s18, s3;
	v25 =	vmul.f32 s14, v25;
	v57 =	vsub.f32 v27, v3;
	v3 =	vsub.f32 v30, v22;
	v30 =	vld [tilespmem:$0x1FFF0];
	[tilespmem:s0+$0x40] =	vst v51;
	s19 =	ssub.f32 $1.500000000e+00, s19  }
0x13a: {  	v58 =	vmul.f32 s14, v23;
	v24 =	vmul.f32 s14, v24;
	v23 =	vsub.f32 v28, v22;
	v28 =	vld [tilespmem:$0x1FFC0];
	s16 =	ssub.f32 $1.500000000e+00, s20;
	s14 =	smul.f32 s25, s11  }
0x13b: {  	v41 =	vadd.f32 v41, v6;
	s19 =	smul.f32 s22, s19  }
0x13c: {  	v14 =	vsub.f32 v14, v53;
	v16 =	vmul.f32 s12, v16;
	[tilespmem:s0+$0x50] =	vst v38;
	s16 =	smul.f32 s31, s16  }
0x13d: {  	v9 =	vsub.f32 v9, v53;
	v15 =	vmul.f32 s3, v15;
	v63 =	vld [tilespmem:$0x1FFD0];
	[tilespmem:s0+$0x60] =	vst v41;
	s22 =	smul.f32 s19, s13  }
0x13e: {  	v11 =	vsub.f32 v11, v53;
	v62 =	vld [tilespmem:$0x1FFE0];
	v16 =	vmul.f32 v16, v30;
	v14 =	vmul.f32 s8, v14;
	s14 =	ssub.f32 $1.500000000e+00, s14;
	s26 =	smul.f32 s16, s9  }
0x13f: {  	v8 =	vsub.f32 v8, v53;
	v10 =	vmul.f32 s12, v10;
	v26 =	vmul.f32 v26, v28;
	s24 =	smul.f32 s22, s19  }
0x140: {  	v13 =	vmul.f32 s12, v13;
	v16 =	vadd.f32 v16, v7;
	v14 =	vmul.f32 v14, v30;
	s11 =	smul.f32 s14, s11  }
0x141: {  	v59 =	vmul.f32 s3, v19;
	v10 =	vmul.f32 v10, v28;
	v26 =	vadd.f32 v26, v4;
	s18 =	smul.f32 s26, s16;
	s28 =	ssub.f32 $1.500000000e+00, s24  }
0x142: {  	v12 =	vmul.f32 s12, v12;
	v13 =	vmul.f32 v13, v63;
	[tilespmem:s0+$0xFFFFFFF0] =	vst v16;
	v14 =	vadd.f32 v14, v7;
	s10 =	smul.f32 s11, s10  }
0x143: {  	s1 =	sadd.s32 $0x100, s0;
	v55 =	vsub.f32 v35, v52;
	v2 =	vmul.f32 v58, v62;
	v10 =	vadd.f32 v10, v4;
	[tilespmem:s0+$0xFFFFFF80] =	vst v26;
	s19 =	smul.f32 s28, s19  }
0x144: {  	v9 =	vmul.f32 s8, v9;
	v13 =	vadd.f32 v13, v5;
	[tilespmem:s1+$0x70] =	vst v14;
	v14 =	vmul.f32 v24, v30;
	s22 =	ssub.f32 $1.500000000e+00, s18;
	s10 =	smul.f32 s10, s11  }
0x145: {  	v11 =	vmul.f32 s8, v11;
	v12 =	vmul.f32 v12, v62;
	v2 =	vadd.f32 v2, v6;
	[tilespmem:s0+$0xFFFFFFC0] =	vst v10;
	s20 =	smul.f32 s19, s13  }
0x146: {  	v8 =	vmul.f32 s8, v8;
	v9 =	vmul.f32 v9, v28;
	[tilespmem:s0+$0xFFFFFFD0] =	vst v13;
	v14 =	vadd.f32 v14, v7;
	s24 =	smul.f32 s22, s16  }
0x147: {  	v20 =	vsub.f32 v20, v52;
	v11 =	vmul.f32 v11, v63;
	v12 =	vadd.f32 v12, v6;
	[tilespmem:s0+$0xFFFFFFA0] =	vst v2;
	s12 =	smul.f32 s20, s19  }
0x148: {  	v8 =	vmul.f32 v8, v62;
	v9 =	vadd.f32 v9, v4;
	[tilespmem:s0+$0xFFFFFFB0] =	vst v14;
	v14 =	vmul.f32 s3, v17;
	s26 =	ssub.f32 $1.500000000e+00, s10  }
0x149: {  	v27 =	vsub.f32 v33, v22;
	v25 =	vmul.f32 v25, v63;
	v11 =	vadd.f32 v11, v5;
	[tilespmem:s0+$0xFFFFFFE0] =	vst v12;
	s25 =	smul.f32 s24, s9;
	s12 =	ssub.f32 $1.500000000e+00, s12  }
0x14a: {  	v10 =	vmul.f32 s3, v18;
	v8 =	vadd.f32 v8, v6;
	[tilespmem:s1+$0x40] =	vst v9;
	v13 =	vmul.f32 v14, v62;
	s28 =	smul.f32 s26, s11  }
0x14b: {  	v15 =	vmul.f32 v15, v28;
	v24 =	vadd.f32 v25, v5;
	v2 =	vmul.f32 v59, v63;
	[tilespmem:s1+$0x50] =	vst v11;
	s12 =	smul.f32 s12, s19  }
0x14c: {  	v10 =	vmul.f32 v10, v30;
	[tilespmem:s1+$0x60] =	vst v8;
	v12 =	vadd.f32 v13, v6;
	s8 =	smul.f32 s25, s24;
	v1 =	vmul.f32 s28, v57  }
0x14d: {  	[tilespmem:s0+$0xFFFFFF90] =	vst v24;
	v2 =	vadd.f32 v2, v5;
	v11 =	vmul.f32 s28, v54;
	v60 =	vmul.f32 s12, v55  }
0x14e: {  	v10 =	vadd.f32 v10, v7;
	[tilespmem:s0+$0x20] =	vst v12;
	s8 =	ssub.f32 $1.500000000e+00, s8;
	v1 =	vmul.f32 v1, v30;
	v12 =	vmul.f32 s12, v20  }
0x14f: {  	[tilespmem:s0+$0x10] =	vst v2;
	v14 =	vadd.f32 v15, v4;
	v0 =	vmul.f32 s12, v56;
	v2 =	vmul.f32 v60, v28  }
0x150: {  	[tilespmem:s0+$0x30] =	vst v10;
	s3 =	smul.f32 s8, s24;
	v1 =	vadd.f32 v1, v7;
	v9 =	vmul.f32 s12, v21;
	v10 =	vmul.f32 v12, v63  }
0x151: {  	[tilespmem:s0+$0x0] =	vst v14;
	v8 =	vmul.f32 s28, v29;
	v0 =	vmul.f32 v0, v62;
	v2 =	vadd.f32 v2, v4  }
0x152: {  	v3 =	vmul.f32 s3, v3;
	[tilespmem:s1+$0xFFFFFFF0] =	vst v1;
	v9 =	vmul.f32 v9, v30;
	v10 =	vadd.f32 v10, v5  }
0x153: {  	v11 =	vmul.f32 v11, v28;
	v61 =	vmul.f32 v8, v63;
	v0 =	vadd.f32 v0, v6;
	[tilespmem:s1+$0xFFFFFF80] =	vst v2  }
0x154: {  	v12 =	vmul.f32 s28, v31;
	v3 =	vmul.f32 v3, v28;
	v8 =	vadd.f32 v9, v7;
	[tilespmem:s1+$0xFFFFFF90] =	vst v10  }
0x155: {  	v22 =	vsub.f32 v34, v22;
	v32 =	vmul.f32 s3, v23;
	v10 =	vadd.f32 v11, v4;
	[tilespmem:s1+$0xFFFFFFA0] =	vst v0  }
0x156: {  	v9 =	vmul.f32 v12, v62;
	v3 =	vadd.f32 v3, v4;
	[tilespmem:s1+$0xFFFFFFB0] =	vst v8;
	v8 =	vmul.f32 s3, v27  }
0x157: {  	v2 =	vadd.f32 v61, v5;
	v0 =	vmul.f32 v32, v63;
	[tilespmem:s1+$0xFFFFFFC0] =	vst v10;
	v10 =	vmul.f32 s3, v22  }
0x158: {  	v9 =	vadd.f32 v9, v6;
	[tilespmem:s1+$0x0] =	vst v3;
	v33 =	vmul.f32 v8, v62  }
0x159: {  	[tilespmem:s1+$0xFFFFFFD0] =	vst v2;
	v0 =	vadd.f32 v0, v5;
	v8 =	vmul.f32 v10, v30  }
0x15a: {  	s8 =	sadd.s32 s6, s2;
	[tilespmem:s1+$0xFFFFFFE0] =	vst v9;
	v34 =	vadd.f32 v33, v6  }
0x15b: {  	s0 =	smul.u32 $0x640, s8;
	[tilespmem:s1+$0x10] =	vst v0;
	v35 =	vadd.f32 v8, v7  }
0x15c: {  	[tilespmem:s1+$0x20] =	vst v34  }
0x15d: {  	p0 =	seq.s32 s29, $0x3F;
	s9 =	simm.s32 $0xFA00;
	s0 =	sadd.s32 s4, s0;
	[tilespmem:s1+$0x30] =	vst v35  }
0x15e: {  	[hbm4b:s0+s5] =	stream.linear.scatter [tilespmem:s9], [sflag:$0x3], $0x3200, $0x38;
	[tilespmem:$0x15E80] =	vst v63  }
0x15f: {  	s0 =	simm.s32 @!p0 $0x3  }
0x160: {  	s1 =	smul.u32 @!p0 $0x640, s29;
	_ =	swait.ge @!p0 [sflag:s0], $0x3200  }
0x161: {  	[sflag:s0] =	ssyncset.done @!p0 $0x0  }
0x162: {  	[sflag:s0] =	ssyncadd.s32 @!p0 $0xFFFFCE00;
	s0 =	sshra.s32 @!p0 s1, $0x2  }
0x163: {  	s2 =	simm.s32 @!p0 $0x68;
	s3 =	simm.s32 @!p0 $0x9600;
	s1 =	sadd.s32 @!p0 $0x190, s0  }
0x164: {  	[tilespmem:s3], [sflag:$0x1] =	stream.indirect.gather @!p0 [hbm4b:s7+s2], $0x40, s1, s2, $0xb8;
	[tilespmem:$0x15E80] =	vst v63  }
0x165: {  	s0 =	sadd.s32 @!p0 $0x1F8, s0;
	s1 =	simm.s32 @!p0 $0x60;
	s2 =	simm.s32 @!p0 $0xB000  }
0x166: {  	[tilespmem:s2], [sflag:$0x1] =	stream.indirect.gather @!p0 [hbm4b:s7+s1], $0x40, s0, s1, $0xb8;
	[tilespmem:$0x15E80] =	vst v63  }
0x167: {  	_ =	swait.ge [sflag:s23], $0x1A00  }
0x168: {  	[sflag:s23] =	ssyncset.done $0x0  }
0x169: {  	[sflag:s23] =	ssyncadd.s32 $0xFFFFE600  }
0x16a: {  	_ =	swait.ge [sflag:s23], $0x1800  }
0x16b: {  	[sflag:s23] =	ssyncset.done $0x0  }
0x16c: {  	s10 =	simm.s32 $0xC880;
	[sflag:s23] =	ssyncadd.s32 $0xFFFFE800  }
0x16d: {  	s11 =	simm.s32 $0x6480;
	v36 =	vld [tilespmem:s10+$0x40]  }
0x16e: {  	v38 =	vld [tilespmem:s11+$0x40]  }
0x16f: {  	v39 =	vld [tilespmem:s10+$0x50]  }
0x170: {  	v3 =	vld [tilespmem:s11+$0x50]  }
0x171: {  	v8 =	vld [tilespmem:s10+$0x60]  }
0x172: {  	v11 =	vld [tilespmem:s11+$0x60]  }
0x173: {  	v12 =	vld [tilespmem:s10+$0x70]  }
0x174: {  	v13 =	vld [tilespmem:s11+$0x70];
	_ =	sdelay $0x1  }
0x175: {  	v17 =	vld [tilespmem:s11+$0xFFFFFF80]  }
0x176: {  	v40 =	vld [tilespmem:s10+$0xFFFFFF90]  }
0x177: {  	v41 =	vld [tilespmem:s11+$0xFFFFFF90];
	v10 =	vadd.f32 v38, v36;
	v9 =	vadd.f32 v3, v39  }
0x178: {  	v16 =	vld [tilespmem:s10+$0xFFFFFFA0];
	v8 =	vadd.f32 v11, v8;
	v11 =	vadd.f32 v13, v12  }
0x179: {  	v43 =	vld [tilespmem:s10+$0xFFFFFFE0];
	v42 =	vmul.f32 v10, v10;
	v3 =	vmul.f32 v9, v9  }
0x17a: {  	v21 =	vld [tilespmem:s11+$0xFFFFFFE0];
	v12 =	vmul.f32 v8, v8;
	v13 =	vmul.f32 v11, v11  }
0x17b: {  	v22 =	vld [tilespmem:s10+$0xFFFFFFF0];
	v14 =	vadd.f32 v9, v10;
	v15 =	vadd.f32 v11, v8  }
0x17c: {  	v23 =	vld [tilespmem:s11+$0xFFFFFFF0];
	v2 =	vadd.f32 v3, v42;
	v3 =	vadd.f32 v13, v12  }
0x17d: {  	v12 =	vld [tilespmem:s10+$0xFFFFFFC0];
	v13 =	vadd.f32 v15, v14  }
0x17e: {  	v14 =	vld [tilespmem:s11+$0xFFFFFFC0];
	v2 =	vadd.f32 v3, v2  }
0x17f: {  	v15 =	vld [tilespmem:s11+$0xFFFFFFD0];
	(xrf2) =	vadd.scan.msk.f32 $0xffff, v13  }
0x180: {  	v3 =	vld [tilespmem:s10+$0xFFFFFFD0];
	(xrf2) =	vadd.scan.msk.f32 $0xffff, v2  }
0x181: {  	v19 =	vld [tilespmem:s11+$0xFFFFFFA0]  }
0x182: {  	v20 =	vld [tilespmem:s10+$0xFFFFFFB0]  }
0x183: {  	v24 =	vld [tilespmem:s11+$0xFFFFFFB0]  }
0x184: {  	v25 =	vld [tilespmem:s10+$0x0];
	v18 =	vadd.f32 v14, v12;
	v12 =	vadd.f32 v23, v22  }
0x185: {  	v44 =	vld [tilespmem:s11+$0x0];
	v14 =	vadd.f32 v15, v3;
	v15 =	vadd.f32 v21, v43  }
0x186: {  	v45 =	vld [tilespmem:s10+$0x10]  }
0x187: {  	v46 =	vld [tilespmem:s11+$0x10];
	v21 =	vadd.f32 v14, v18;
	v23 =	vadd.f32 v12, v15  }
0x188: {  	v22 =	vld [tilespmem:s10+$0xFFFFFF80]  }
0x189: {  	v29 =	vld [tilespmem:s10+$0x30];
	v16 =	vadd.f32 v19, v16;
	v23 =	vadd.f32 v23, v21;
	v3, _, _ =	vpop (xrf2)  }
0x18a: {  	v21 =	vadd.f32 v24, v20;
	v24 =	vld [tilespmem:s11+$0x30];
	(v2sf) =	vpush v3, $0xF;
	v3, _, _ =	vpop (xrf2)  }
0x18b: {  	v37 =	vmovc v30;
	v26 =	vld [tilespmem:s10+$0x20];
	v30 =	vmul.f32 v12, v12;
	v19 =	vmul.f32 v14, v14;
	(v2sf) =	vpush v3, $0xF  }
0x18c: {  	v27 =	vld [tilespmem:s11+$0x20];
	v13 =	vadd.f32 v41, v40;
	v28 =	vmul.f32 v15, v15;
	v3 =	vmul.f32 v18, v18  }
0x18d: {  	v20 =	vadd.f32 v44, v25;
	(xrf2) =	vadd.scan.msk.f32 $0xffff, v23;
	v23 =	vadd.f32 v17, v22  }
0x18e: {  	v3 =	vadd.f32 v19, v3;
	v19 =	vadd.f32 v30, v28  }
0x18f: {  	v22 =	vadd.f32 v46, v45;
	v17 =	vadd.f32 v24, v29  }
0x190: {  	v28 =	vadd.f32 v21, v16;
	v47 =	vadd.f32 v19, v3  }
0x191: {  	v48 =	vmul.f32 v16, v16;
	v3 =	vadd.f32 v13, v23;
	v19 =	vadd.f32 v27, v26  }
0x192: {  	v25 =	vmul.f32 v13, v13;
	v50 =	vmul.f32 v21, v21;
	v24 =	vadd.f32 v22, v20  }
0x193: {  	v27 =	vmul.f32 v23, v23;
	(xrf2) =	vadd.scan.msk.f32 $0xffff, v47;
	v49 =	vadd.f32 v28, v3;
	v26 =	vadd.f32 v17, v19  }
0x194: {  	v51 =	vadd.f32 v50, v48  }
0x195: {  	v3 =	vmul.f32 v20, v20;
	v25 =	vadd.f32 v25, v27;
	(xrf2) =	vadd.scan.msk.f32 $0xffff, v49;
	v24 =	vadd.f32 v26, v24  }
0x196: {  	v52 =	vmul.f32 v22, v22  }
0x197: {  	v53 =	vmul.f32 v19, v19;
	v28 =	vmul.f32 v17, v17;
	v0 =	vadd.f32 v51, v25;
	(xrf2) =	vadd.scan.msk.f32 $0xffff, v24;
	_ =	sdelay $0x1  }
0x198: {  	v1 =	vadd.f32 v52, v3;
	v2 =	vadd.f32 v28, v53;
	v3, _, _ =	vpop (xrf2);
	(xrf2) =	vadd.scan.msk.f32 $0xffff, v0;
	s12 =	spop (v2sf)  }
0x199: {  	(v2sf) =	vpush v3, $0xF;
	s1 =	smul.f32 $1.562500000e-02, s12;
	s13 =	spop (v2sf)  }
0x19a: {  	v1 =	vadd.f32 v2, v1;
	s0 =	smul.f32 $1.562500000e-02, s13  }
0x19b: {  	s14 =	smul.f32 s1, s1  }
0x19c: {  	v54, _, _ =	vpop (xrf2);
	(xrf2) =	vadd.scan.msk.f32 $0xffff, v1  }
0x19d: {  	s3 =	simm.s32 $0xC980;
	(v2sf) =	vpush v54, $0xF;
	s2 =	ssub.f32 s0, s14  }
0x19e: {  	v56 =	vld [tilespmem:s3+$0x40];
	v55, _, _ =	vpop (xrf2)  }
0x19f: {  	v58 =	vld [tilespmem:s3+$0x50];
	(v2sf) =	vpush v55, $0xF;
	s2 =	smax.f32 s2, $0.0e+00  }
0x1a0: {  	v59 =	vld [tilespmem:s3+$0xFFFFFF90];
	v24, _, _ =	vpop (xrf2);
	s2 =	sadd.f32 $9.999999960e-13, s2  }
0x1a1: {  	v27 =	vld [tilespmem:s3+$0x70];
	(v2sf) =	vpush v24, $0xF  }
0x1a2: {  	v25 =	vld [tilespmem:s3+$0x60];
	s0 =	simm.s32 $0x6580;
	v26, _, _ =	vpop (xrf2);
	s16 =	sshra.s32 s2, $0x1;
	s11 =	smul.f32 $5.000000000e-01, s2  }
0x1a3: {  	v57 =	vld [tilespmem:s0+$0x40];
	(v2sf) =	vpush v26, $0xF;
	s8 =	ssub.s32 $0x5F3759DF, s16  }
0x1a4: {  	v3 =	vld [tilespmem:s0+$0x50];
	s2 =	smul.f32 s8, s11  }
0x1a5: {  	v24 =	vld [tilespmem:s0+$0x60]  }
0x1a6: {  	v26 =	vld [tilespmem:s0+$0x70];
	v28, _, _ =	vpop (xrf2);
	s2 =	smul.f32 s8, s2  }
0x1a7: {  	v61 =	vld [tilespmem:s3+$0xFFFFFFB0];
	(v2sf) =	vpush v28, $0xF  }
0x1a8: {  	v34 =	vld [tilespmem:s3+$0x10];
	s18 =	spop (v2sf);
	s19 =	ssub.f32 $1.500000000e+00, s2  }
0x1a9: {  	v41 =	vld [tilespmem:s3+$0x0];
	s2 =	smul.f32 $1.562500000e-02, s18  }
0x1aa: {  	v50 =	vld [tilespmem:s3+$0xFFFFFFF0];
	v35 =	vadd.f32 v57, v56;
	v36 =	vadd.f32 v3, v58;
	s8 =	smul.f32 s8, s19  }
0x1ab: {  	v29 =	vld [tilespmem:s3+$0xFFFFFFA0];
	v48 =	vadd.f32 v24, v25;
	v38 =	vadd.f32 v26, v27;
	s20 =	smul.f32 s2, s2  }
0x1ac: {  	v47 =	vld [tilespmem:s3+$0xFFFFFFD0];
	v45 =	vmul.f32 v35, v35;
	v3 =	vmul.f32 v36, v36;
	v31 =	vadd.f32 v36, v35;
	s22 =	spop (v2sf);
	s24 =	smul.f32 s8, s11  }
0x1ad: {  	v49 =	vld [tilespmem:s3+$0xFFFFFFE0];
	v25 =	vmul.f32 v48, v48;
	v26 =	vmul.f32 v38, v38;
	v46 =	vadd.f32 v38, v48;
	s25 =	smul.f32 $1.562500000e-02, s22  }
0x1ae: {  	v53 =	vld [tilespmem:s3+$0xFFFFFF80];
	v2 =	vadd.f32 v3, v45;
	s26 =	spop (v2sf);
	s12 =	smul.f32 s24, s8  }
0x1af: {  	v51 =	vld [tilespmem:s0+$0xFFFFFFF0];
	v3 =	vadd.f32 v26, v25;
	v26 =	vadd.f32 v46, v31;
	s9 =	smul.f32 $1.562500000e-02, s26;
	s10 =	ssub.f32 s25, s20  }
0x1b0: {  	v24 =	vld [tilespmem:s3+$0xFFFFFFC0];
	s16 =	spop (v2sf);
	s12 =	ssub.f32 $1.500000000e+00, s12  }
0x1b1: {  	v27 =	vld [tilespmem:s0+$0xFFFFFFC0];
	v2 =	vadd.f32 v3, v2;
	(xrf2) =	vadd.scan.msk.f32 $0xffff, v26;
	s28 =	smul.f32 s9, s9;
	s18 =	smax.f32 s10, $0.0e+00  }
0x1b2: {  	v25 =	vld [tilespmem:s0+$0xFFFFFFD0];
	s10 =	smul.f32 $1.562500000e-02, s16;
	s19 =	spop (v2sf)  }
0x1b3: {  	v3 =	vld [tilespmem:s0+$0xFFFFFFE0];
	(xrf2) =	vadd.scan.msk.f32 $0xffff, v2;
	s14 =	smul.f32 $1.562500000e-02, s19  }
0x1b4: {  	v30 =	vld [tilespmem:s0+$0xFFFFFF80];
	s8 =	smul.f32 s12, s8  }
0x1b5: {  	v60 =	vld [tilespmem:s0+$0xFFFFFFA0];
	s12 =	sadd.f32 $9.999999960e-13, s18;
	s20 =	smul.f32 s10, s10  }
0x1b6: {  	v42 =	vld [tilespmem:s0+$0x0];
	s11 =	smul.f32 s8, s11;
	s22 =	spop (v2sf)  }
0x1b7: {  	v52 =	vld [tilespmem:s0+$0xFFFFFFB0];
	v31 =	vadd.f32 v27, v24;
	v26 =	vadd.f32 v25, v47;
	s18 =	smul.f32 $1.562500000e-02, s22  }
0x1b8: {  	v28 =	vld [tilespmem:s0+$0xFFFFFF90];
	v27 =	vadd.f32 v51, v50;
	v25 =	vadd.f32 v3, v49;
	s13 =	ssub.f32 s14, s28;
	s24 =	sshra.s32 s12, $0x1;
	s12 =	smul.f32 $5.000000000e-01, s12  }
0x1b9: {  	v40 =	vld [tilespmem:s0+$0x20];
	v58 =	vadd.f32 v26, v31;
	s14 =	ssub.s32 $0x5F3759DF, s24;
	s11 =	smul.f32 s11, s8;
	s16 =	ssub.f32 s18, s20  }
0x1ba: {  	v55 =	vld [tilespmem:s3+$0x30];
	v33 =	vadd.f32 v27, v25;
	s13 =	smax.f32 s13, $0.0e+00;
	s25 =	smul.f32 s14, s12  }
0x1bb: {  	v57 =	vld [tilespmem:s0+$0x30];
	v32 =	vadd.f32 v42, v41;
	v24 =	vadd.f32 v60, v29;
	s13 =	sadd.f32 $9.999999960e-13, s13;
	v54, _, _ =	vpop (xrf2);
	s16 =	smax.f32 s16, $0.0e+00  }
0x1bc: {  	v2 =	vld [tilespmem:s3+$0x20];
	v1 =	vadd.f32 v33, v58;
	(v2sf) =	vpush v54, $0xF;
	s26 =	smul.f32 s14, s25;
	s28 =	sadd.f32 $9.999999960e-13, s16  }
0x1bd: {  	v29 =	vadd.f32 v52, v61;
	v28 =	vadd.f32 v28, v59;
	v3 =	vld [tilespmem:s0+$0x10];
	v58, _, _ =	vpop (xrf2);
	s19 =	sshra.s32 s13, $0x1;
	s16 =	smul.f32 $5.000000000e-01, s13  }
0x1be: {  	v59 =	vmul.f32 v31, v31;
	v56 =	vmul.f32 v27, v27;
	(xrf2) =	vadd.scan.msk.f32 $0xffff, v1;
	(v2sf) =	vpush v58, $0xF;
	s20 =	ssub.s32 $0x5F3759DF, s19;
	s22 =	sshra.s32 s28, $0x1;
	s13 =	smul.f32 $5.000000000e-01, s28  }
0x1bf: {  	v51 =	vadd.f32 v30, v53;
	v60 =	vmul.f32 v26, v26;
	v61 =	vmul.f32 v25, v25;
	s24 =	smul.f32 s20, s16;
	s25 =	ssub.s32 $0x5F3759DF, s22  }
0x1c0: {  	v30 =	vadd.f32 v57, v55;
	v43 =	vadd.f32 v29, v24;
	s0 =	smul.f32 s25, s13  }
0x1c1: {  	v39 =	vadd.f32 v60, v59;
	v59 =	vadd.f32 v56, v61;
	s11 =	ssub.f32 $1.500000000e+00, s11;
	s18 =	smul.f32 s20, s24  }
0x1c2: {  	v33 =	vadd.f32 v40, v2;
	v34 =	vadd.f32 v3, v34;
	s3 =	ssub.f32 $1.500000000e+00, s26;
	s26 =	smul.f32 s25, s0  }
0x1c3: {  	v60 =	vadd.f32 v28, v51;
	v0 =	vadd.f32 v59, v39;
	s0 =	smul.f32 s11, s8;
	s28 =	ssub.f32 $1.500000000e+00, s18  }
0x1c4: {  	v46 =	vadd.f32 v30, v33;
	v3 =	vadd.f32 v34, v32;
	s11 =	smul.f32 s14, s3  }
0x1c5: {  	v1 =	vadd.f32 v43, v60;
	(xrf2) =	vadd.scan.msk.f32 $0xffff, v0;
	s18 =	ssub.f32 $1.500000000e+00, s26;
	s14 =	smul.f32 s20, s28  }
0x1c6: {  	v3 =	vadd.f32 v46, v3;
	s24 =	smul.f32 s11, s12  }
0x1c7: {  	v45 =	vmul.f32 v24, v24;
	v52 =	vmul.f32 v51, v51;
	(xrf2) =	vadd.scan.msk.f32 $0xffff, v1;
	s18 =	smul.f32 s25, s18  }
0x1c8: {  	v47 =	vmul.f32 v29, v29;
	v49 =	vmul.f32 v32, v32;
	(xrf2) =	vadd.scan.msk.f32 $0xffff, v3;
	v55, _, _ =	vpop (xrf2);
	s22 =	smul.f32 s14, s16  }
0x1c9: {  	v61 =	vmul.f32 v28, v28;
	v53 =	vmul.f32 v33, v33;
	(v2sf) =	vpush v55, $0xF;
	s25 =	smul.f32 s18, s13  }
0x1ca: {  	v54 =	vmul.f32 v30, v30;
	v50 =	vmul.f32 v34, v34;
	s20 =	smul.f32 s22, s14  }
0x1cb: {  	v2 =	vadd.f32 v61, v52;
	v0 =	vadd.f32 v47, v45;
	s26 =	spop (v2sf);
	s22 =	smul.f32 s24, s11  }
0x1cc: {  	v40 =	vadd.f32 v50, v49;
	v1 =	vadd.f32 v54, v53;
	s3 =	smul.f32 $1.562500000e-02, s26  }
0x1cd: {  	v58 =	vmov s2;
	v0 =	vadd.f32 v0, v2;
	s28 =	spop (v2sf);
	s19 =	smul.f32 s25, s18  }
0x1ce: {  	s31 =	simm.s32 $0x6680;
	v18 =	vsub.f32 v18, v58;
	v1 =	vadd.f32 v1, v40;
	s25 =	smul.f32 $1.562500000e-02, s28;
	s20 =	ssub.f32 $1.500000000e+00, s20  }
0x1cf: {  	v3 =	vld [tilespmem:s31+$0x40];
	(xrf2) =	vadd.scan.msk.f32 $0xffff, v0;
	s8 =	simm.s32 $0xCA80;
	v56, _, _ =	vpop (xrf2);
	s26 =	smul.f32 s3, s3;
	s22 =	ssub.f32 $1.500000000e+00, s22  }
0x1d0: {  	(xrf2) =	vadd.scan.msk.f32 $0xffff, v1;
	v57 =	vld [tilespmem:s8+$0x40];
	[tilespmem:$0x1FF80] =	vst v18;
	v18 =	vmov s9;
	(v2sf) =	vpush v56, $0xF;
	s9 =	smul.f32 s20, s14;
	s19 =	ssub.f32 $1.500000000e+00, s19  }
0x1d1: {  	v41 =	vsub.f32 v14, v58;
	v40 =	vsub.f32 v15, v58;
	v59, _, _ =	vpop (xrf2);
	s14 =	smul.f32 s22, s11  }
0x1d2: {  	v60 =	vld [tilespmem:s8+$0x50];
	v49 =	vsub.f32 v23, v18;
	v15, _, _ =	vpop (xrf2);
	(v2sf) =	vpush v59, $0xF;
	s28 =	ssub.f32 s25, s26;
	s2 =	smul.f32 s19, s18  }
0x1d3: {  	v14 =	vld [tilespmem:s31+$0x50];
	v47 =	vsub.f32 v13, v18;
	(v2sf) =	vpush v15, $0xF;
	s25 =	smul.f32 s9, s16  }
0x1d4: {  	v13 =	vld [tilespmem:s8+$0x60];
	v50 =	vsub.f32 v16, v18;
	v39 =	vsub.f32 v21, v18;
	v18 =	vmov s10;
	s24 =	smax.f32 s28, $0.0e+00;
	s28 =	smul.f32 s14, s12  }
0x1d5: {  	v42 =	vsub.f32 v12, v58;
	v12 =	vmov s1;
	v16 =	vld [tilespmem:s31+$0x60];
	v46 =	vsub.f32 v19, v18;
	s26 =	sadd.f32 $9.999999960e-13, s24;
	s13 =	smul.f32 s2, s13  }
0x1d6: {  	v61 =	vld [tilespmem:s8+$0x70];
	v19 =	vsub.f32 v11, v12;
	v11 =	vsub.f32 v17, v18;
	s11 =	smul.f32 s25, s9  }
0x1d7: {  	v54 =	vsub.f32 v10, v12;
	v15 =	vld [tilespmem:s31+$0x70];
	s18 =	sshra.s32 s26, $0x1;
	s12 =	smul.f32 $5.000000000e-01, s26  }
0x1d8: {  	v52 =	vsub.f32 v9, v12;
	v44 =	vsub.f32 v20, v18;
	v20 =	vld [tilespmem:s8+$0xFFFFFF90];
	[tilespmem:$0x1FF90] =	vst v11;
	s10 =	smul.f32 s28, s14;
	s16 =	ssub.s32 $0x5F3759DF, s18;
	s19 =	spop (v2sf)  }
0x1d9: {  	v53 =	vsub.f32 v8, v12;
	v43 =	vsub.f32 v22, v18;
	v10, _, _ =	vpop (xrf2);
	v18 =	vld [tilespmem:s8+$0xFFFFFFA0];
	s11 =	ssub.f32 $1.500000000e+00, s11;
	s1 =	smul.f32 s16, s12  }
0x1da: {  	v11 =	vadd.f32 v14, v60;
	(v2sf) =	vpush v10, $0xF;
	v12 =	vld [tilespmem:s31+$0xFFFFFFA0];
	v9, _, _ =	vpop (xrf2);
	s18 =	smul.f32 $1.562500000e-02, s19  }
0x1db: {  	v8 =	vadd.f32 v16, v13;
	v45 =	vld [tilespmem:s8+$0xFFFFFFB0];
	(v2sf) =	vpush v9, $0xF;
	s28 =	ssub.f32 $1.500000000e+00, s10;
	s10 =	smul.f32 s11, s9  }
0x1dc: {  	v60 =	vld [tilespmem:s31+$0xFFFFFFB0];
	v9 =	vadd.f32 v3, v57;
	v14 =	vadd.f32 v15, v61;
	s1 =	smul.f32 s16, s1  }
0x1dd: {  	v13 =	vmul.f32 v11, v11;
	v21 =	vmul.f32 v8, v8;
	s9 =	smul.f32 s28, s14  }
0x1de: {  	v17 =	vld [tilespmem:s31+$0xFFFFFF90];
	v3 =	vmul.f32 v9, v9;
	v22 =	vmul.f32 v14, v14;
	s20 =	ssub.f32 $1.500000000e+00, s1;
	s1 =	smul.f32 s13, s2  }
0x1df: {  	v23 =	vld [tilespmem:s31+$0xFFFFFFC0];
	v16 =	vadd.f32 v11, v9;
	s22 =	spop (v2sf);
	s13 =	smul.f32 s18, s18  }
0x1e0: {  	v55 =	vld [tilespmem:s8+$0xFFFFFFD0];
	v3 =	vadd.f32 v13, v3;
	v13 =	vadd.f32 v22, v21;
	v61 =	vmov s18;
	s18 =	smul.f32 $1.562500000e-02, s22  }
0x1e1: {  	v54 =	vmul.f32 s0, v54;
	v56 =	vld [tilespmem:s31+$0xFFFFFFD0];
	v21 =	vadd.f32 v12, v18;
	v22 =	vadd.f32 v60, v45;
	s24 =	spop (v2sf);
	s16 =	smul.f32 s16, s20  }
0x1e2: {  	v52 =	vmul.f32 s0, v52;
	v15 =	vld [tilespmem:s8+$0xFFFFFFC0];
	v10 =	vsub.f32 v31, v61;
	v31 =	vadd.f32 v14, v8;
	s19 =	smul.f32 $1.562500000e-02, s24;
	s26 =	spop (v2sf)  }
0x1e3: {  	v53 =	vmul.f32 s0, v53;
	v0 =	vld [tilespmem:s8+$0xFFFFFFF0];
	v20 =	vadd.f32 v17, v20;
	v3 =	vadd.f32 v13, v3;
	s13 =	ssub.f32 s18, s13;
	s25 =	smul.f32 s16, s12  }
0x1e4: {  	v17 =	vld [tilespmem:s8+$0xFFFFFFE0];
	v45 =	vmul.f32 v21, v21;
	v16 =	vadd.f32 v31, v16;
	v31 =	vmul.f32 v22, v22;
	s22 =	smul.f32 $1.562500000e-02, s26  }
0x1e5: {  	v53 =	vmul.f32 v53, v62;
	v18 =	vld [tilespmem:s31+$0xFFFFFFE0];
	v13 =	vsub.f32 v26, v61;
	v12 =	vsub.f32 v25, v61;
	s13 =	smax.f32 s13, $0.0e+00;
	s20 =	smul.f32 s25, s16  }
0x1e6: {  	v57 =	vld [tilespmem:s8+$0x0];
	(xrf2) =	vadd.scan.msk.f32 $0xffff, v16;
	v16 =	vmov s19;
	v1 =	vadd.f32 v31, v45;
	v31 =	vadd.f32 v56, v55;
	s28 =	smul.f32 s22, s22;
	s13 =	sadd.f32 $9.999999960e-13, s13  }
0x1e7: {  	v60 =	vmul.f32 s0, v19;
	(xrf2) =	vadd.scan.msk.f32 $0xffff, v3;
	v3 =	vld [tilespmem:s31+$0xFFFFFFF0];
	v25 =	vsub.f32 v28, v16;
	v28 =	vadd.f32 v23, v15;
	s25 =	smul.f32 s19, s19;
	s20 =	ssub.f32 $1.500000000e+00, s20  }
0x1e8: {  	v23 =	vsub.f32 v24, v16;
	v24 =	vsub.f32 v29, v16;
	v29 =	vld [tilespmem:s31+$0x0];
	v58 =	vmov s22;
	[tilespmem:$0x1FFA0] =	vst v1;
	s22 =	sshra.s32 s13, $0x1;
	s13 =	smul.f32 $5.000000000e-01, s13  }
0x1e9: {  	v49 =	vmul.f32 s10, v49;
	s26 =	spop (v2sf);
	v26 =	vsub.f32 v51, v16;
	v16 =	vsub.f32 v27, v61;
	v1 =	vld [tilespmem:s8+$0x10];
	s11 =	smul.f32 s20, s16  }
0x1ea: {  	v47 =	vmul.f32 s10, v47;
	v15 =	vsub.f32 v32, v58;
	v32 =	vadd.f32 v18, v17;
	v45 =	vld [tilespmem:s31+$0x10];
	s16 =	smul.f32 $1.562500000e-02, s26;
	s20 =	spop (v2sf)  }
0x1eb: {  	v18 =	vmul.f32 v31, v31;
	v19 =	vsub.f32 v34, v58;
	v51 =	vmul.f32 v28, v28;
	v59 =	vld [tilespmem:s8+$0x20];
	s19 =	smul.f32 $1.562500000e-02, s20  }
0x1ec: {  	v50 =	vmul.f32 s10, v50;
	v17 =	vsub.f32 v33, v58;
	v34 =	vld [tilespmem:s8+$0x30];
	v27 =	vadd.f32 v3, v0;
	s20 =	ssub.s32 $0x5F3759DF, s22;
	s12 =	smul.f32 s11, s12  }
0x1ed: {  	v41 =	vmul.f32 s9, v41;
	s1 =	ssub.f32 $1.500000000e+00, s1;
	v56 =	vadd.f32 v31, v28;
	v0 =	vld [tilespmem:s31+$0x20];
	v3 =	vadd.f32 v18, v51;
	s26 =	smul.f32 s20, s13  }
0x1ee: {  	v55 =	vmul.f32 v60, v37;
	v18 =	vsub.f32 v30, v58;
	v58 =	vld [tilespmem:s31+$0x30];
	v33 =	vadd.f32 v27, v32;
	s24 =	ssub.f32 s19, s28;
	s12 =	smul.f32 s12, s11  }
0x1ef: {  	v60 =	vmul.f32 v32, v32;
	v30 =	vadd.f32 v29, v57;
	v57 =	vld [tilespmem:s8+$0xFFFFFF80];
	v51 =	vmul.f32 v27, v27;
	s14 =	ssub.f32 s16, s25;
	s28 =	smul.f32 s20, s26  }
0x1f0: {  	v40 =	vmul.f32 s9, v40;
	v29 =	vadd.f32 v45, v1;
	v1 =	vld [tilespmem:s31+$0xFFFFFF80];
	v61, _, _ =	vpop (xrf2);
	v56 =	vadd.f32 v33, v56;
	s8 =	smax.f32 s24, $0.0e+00;
	s12 =	ssub.f32 $1.500000000e+00, s12  }
0x1f1: {  	v42 =	vmul.f32 s9, v42;
	v2 =	vadd.f32 v51, v60;
	(v2sf) =	vpush v61, $0xF;
	s25 =	smax.f32 s14, $0.0e+00;
	s16 =	sadd.f32 $9.999999960e-13, s8  }
0x1f2: {  	v45, _, _ =	vpop (xrf2);
	v61 =	vadd.f32 v22, v21;
	v33 =	vadd.f32 v0, v59;
	v0 =	vmov s3;
	s0 =	ssub.f32 $1.500000000e+00, s28;
	s28 =	smul.f32 s1, s2  }
0x1f3: {  	v59 =	vmul.f32 v30, v30;
	v34 =	vadd.f32 v58, v34;
	(v2sf) =	vpush v45, $0xF;
	s3 =	smul.f32 s12, s11;
	s11 =	sadd.f32 $9.999999960e-13, s25  }
0x1f4: {  	v58 =	vmul.f32 v29, v29;
	v38 =	vsub.f32 v38, v0;
	v45 =	vsub.f32 v35, v0;
	s19 =	sshra.s32 s16, $0x1;
	s16 =	smul.f32 $5.000000000e-01, s16  }
0x1f5: {  	v51 =	vld [tilespmem:$0x1FFC0];
	v2 =	vadd.f32 v2, v3;
	v35 =	vadd.f32 v1, v57;
	v1 =	vmul.f32 v52, v63;
	s14 =	ssub.s32 $0x5F3759DF, s19;
	s18 =	sshra.s32 s11, $0x1;
	s8 =	smul.f32 $5.000000000e-01, s11  }
0x1f6: {  	v60 =	vsub.f32 v36, v0;
	(xrf2) =	vadd.scan.msk.f32 $0xffff, v56;
	v52 =	vmul.f32 v33, v33;
	v36 =	vmul.f32 v34, v34;
	s24 =	smul.f32 s14, s16;
	s11 =	ssub.s32 $0x5F3759DF, s18  }
0x1f7: {  	v0 =	vsub.f32 v48, v0;
	v58 =	vadd.f32 v58, v59;
	(xrf2) =	vadd.scan.msk.f32 $0xffff, v2;
	v2 =	vmul.f32 v20, v20;
	s22 =	smul.f32 s11, s8  }
0x1f8: {  	v48 =	vadd.f32 v20, v35;
	v36 =	vadd.f32 v36, v52;
	v52 =	vmul.f32 v35, v35;
	s18 =	smul.f32 s14, s24  }
0x1f9: {  	v47 =	vmul.f32 v47, v63;
	v59 =	vadd.f32 v29, v30;
	v3 =	vadd.f32 v34, v33;
	s12 =	smul.f32 s11, s22  }
0x1fa: {  	v54 =	vmul.f32 v54, v51;
	v56 =	vadd.f32 v61, v48;
	v2 =	vadd.f32 v2, v52;
	s26 =	ssub.f32 $1.500000000e+00, s18  }
0x1fb: {  	v44 =	vmul.f32 s28, v44;
	v52 =	vadd.f32 v36, v58;
	v61 =	vadd.f32 v55, v7;
	v58 =	vld [tilespmem:$0x1FF80];
	s25 =	ssub.f32 $1.500000000e+00, s12;
	s12 =	smul.f32 s20, s0  }
0x1fc: {  	s1 =	simm.s32 $0x12C80;
	v43 =	vmul.f32 s28, v43;
	v46 =	vmul.f32 s28, v46;
	v54 =	vadd.f32 v54, v4;
	s2 =	smul.f32 s14, s26  }
0x1fd: {  	v1 =	vadd.f32 v1, v5;
	v49 =	vmul.f32 v49, v51;
	v38 =	vmul.f32 s3, v38;
	[tilespmem:s1+$0x70] =	vst v61;
	s11 =	smul.f32 s11, s25  }
0x1fe: {  	v3 =	vadd.f32 v3, v59;
	v36 =	vmul.f32 s10, v39;
	v0 =	vmul.f32 s3, v0;
	[tilespmem:s1+$0x40] =	vst v54;
	s14 =	smul.f32 s12, s13  }
0x1ff: {  	v57 =	vmovc v37;
	v38 =	vmul.f32 v38, v37;
	(xrf2) =	vadd.scan.msk.f32 $0xffff, v56;
	v37 =	vmul.f32 s3, v45;
	v54 =	vld [tilespmem:$0x1FF90];
	[tilespmem:s1+$0x50] =	vst v1;
	s18 =	smul.f32 s2, s16  }
0x200: {  	v61 =	vadd.f32 v53, v6;
	v53 =	vmul.f32 s3, v60;
	v1 =	vld [tilespmem:$0x1FFA0];
	v59 =	vmul.f32 s9, v58;
	s9 =	smul.f32 s11, s8  }
0x201: {  	v48 =	vmul.f32 v36, v57;
	v60 =	vadd.f32 v47, v5;
	(xrf2) =	vadd.scan.msk.f32 $0xffff, v3;
	v3 =	vadd.f32 v49, v4;
	s22 =	smul.f32 s18, s2  }
0x202: {  	v38 =	vadd.f32 v38, v7;
	[tilespmem:s1+$0x60] =	vst v61;
	v61 =	vmul.f32 v42, v57;
	v42 =	vmul.f32 v46, v62;
	s19 =	smul.f32 s9, s11  }
0x203: {  	v47 =	vadd.f32 v48, v7;
	v55, _, _ =	vpop (xrf2);
	v58 =	vmul.f32 v41, v63;
	s0 =	simm.s32 $0x12D80;
	v39 =	vmul.f32 v59, v51;
	s20 =	spop (v2sf);
	s9 =	smul.f32 s14, s12  }
0x204: {  	(v2sf) =	vpush v55, $0xF;
	v56, _, _ =	vpop (xrf2);
	[tilespmem:s0+$0x70] =	vst v38;
	v59 =	vmul.f32 v40, v62;
	v38 =	vmul.f32 v43, v63;
	s24 =	spop (v2sf);
	s14 =	smul.f32 $1.562500000e-02, s20  }
0x205: {  	v45 =	vmul.f32 s28, v54;
	v54 =	vmovc v51;
	v1 =	vadd.f32 v1, v2;
	v2 =	vmul.f32 v50, v62;
	s25 =	smul.f32 $1.562500000e-02, s24;
	s28 =	ssub.f32 $1.500000000e+00, s22  }
0x206: {  	[tilespmem:s1+$0xFFFFFF90] =	vst v60;
	v40 =	vmul.f32 v0, v62;
	(v2sf) =	vpush v56, $0xF;
	v41 =	vmul.f32 v44, v54;
	s3 =	ssub.f32 $1.500000000e+00, s19;
	s26 =	smul.f32 s14, s14  }
0x207: {  	[tilespmem:s1+$0xFFFFFF80] =	vst v3;
	v43 =	vmul.f32 v37, v54;
	v46 =	vadd.f32 v39, v4;
	v2 =	vadd.f32 v2, v6;
	s9 =	ssub.f32 $1.500000000e+00, s9;
	s2 =	smul.f32 s28, s2  }
0x208: {  	v37 =	vmul.f32 v53, v63;
	v44 =	vadd.f32 v58, v5;
	v39 =	vadd.f32 v61, v7;
	(xrf2) =	vadd.scan.msk.f32 $0xffff, v1;
	s10 =	smul.f32 s3, s11;
	s3 =	simm.s32 $0x8  }
0x209: {  	v36 =	vmul.f32 v45, v57;
	v45 =	vadd.f32 v59, v6;
	(xrf2) =	vadd.scan.msk.f32 $0xffff, v52;
	v48, _, _ =	vpop (xrf2);
	[tilespmem:s1+$0xFFFFFFA0] =	vst v2;
	s18 =	smul.f32 s9, s12;
	s9 =	ssub.f32 s25, s26;
	s12 =	simm.s32 $0xCB80  }
.LBB2_5:
0x20a: {  	_ =	sdelay $0x1  }
0x20b: {  	(v2sf) =	vpush v48, $0xF  }
0x20c: {  	v0 =	vld [tilespmem:s12+$0x40]  }
0x20d: {  	v52 =	vld [tilespmem:s12+$0x50];
	s9 =	smax.f32 s9, $0.0e+00;
	s11 =	smul.f32 s10, s8  }
0x20e: {  	v56 =	vld [tilespmem:s12+$0x60];
	s22 =	smul.f32 s18, s13;
	s20 =	sadd.f32 $9.999999960e-13, s9  }
0x20f: {  	s31 =	sadd.s32 $0x100, s31;
	v59 =	vld [tilespmem:s12+$0x70];
	s24 =	smul.f32 s2, s16  }
0x210: {  	v2 =	vld [tilespmem:s31+$0x40];
	s25 =	sshra.s32 s20, $0x1;
	s8 =	smul.f32 $5.000000000e-01, s20  }
0x211: {  	v3 =	vadd.f32 v38, v5;
	v55 =	vld [tilespmem:s31+$0x50];
	s11 =	smul.f32 s11, s10;
	s16 =	ssub.s32 $0x5F3759DF, s25;
	v53, _, _ =	vpop (xrf2)  }
0x212: {  	[tilespmem:s1+$0xFFFFFFB0] =	vst v47;
	v57 =	vld [tilespmem:s31+$0x60];
	s19 =	smul.f32 s16, s8;
	(v2sf) =	vpush v53, $0xF  }
0x213: {  	s9 =	smul.f32 s22, s18;
	[tilespmem:s1+$0x10] =	vst v3;
	v3 =	vld [tilespmem:s31+$0x70];
	v58, _, _ =	vpop (xrf2)  }
0x214: {  	[tilespmem:s1+$0xFFFFFFC0] =	vst v46;
	v61 =	vld [tilespmem:s12+$0xFFFFFF90];
	s19 =	smul.f32 s16, s19;
	(v2sf) =	vpush v58, $0xF;
	s20 =	spop (v2sf)  }
0x215: {  	v1 =	vadd.f32 v41, v4;
	[tilespmem:s1+$0xFFFFFFD0] =	vst v44;
	v62 =	vld [tilespmem:s31+$0xFFFFFF90];
	s11 =	ssub.f32 $1.500000000e+00, s11;
	s20 =	smul.f32 $1.562500000e-02, s20  }
0x216: {  	v51 =	vadd.f32 v42, v6;
	[tilespmem:s1+$0xFFFFFFE0] =	vst v45;
	v48 =	vld [tilespmem:s12+$0xFFFFFFA0];
	s13 =	smul.f32 s24, s2;
	v46 =	vadd.f32 v2, v0;
	s26 =	ssub.f32 $1.500000000e+00, s19  }
0x217: {  	[tilespmem:s1+$0xFFFFFFF0] =	vst v39;
	v63 =	vld [tilespmem:s31+$0xFFFFFFA0];
	s22 =	ssub.f32 $1.500000000e+00, s9;
	v42 =	vadd.f32 v55, v52;
	v38 =	vadd.f32 v57, v56;
	v60, _, _ =	vpop (xrf2);
	s28 =	smul.f32 s20, s20  }
0x218: {  	v50 =	vld [tilespmem:s12+$0xFFFFFFC0];
	[tilespmem:s1+$0x0] =	vst v1;
	v1 =	vadd.f32 v3, v59;
	(v2sf) =	vpush v60, $0xF;
	s24 =	spop (v2sf);
	v49 =	vmov s20;
	s20 =	smul.f32 s16, s26  }
0x219: {  	v43 =	vadd.f32 v43, v4;
	v54 =	vadd.f32 v36, v7;
	s9 =	ssub.f32 $1.500000000e+00, s13;
	v56 =	vld [tilespmem:s12+$0xFFFFFFB0];
	s25 =	smul.f32 $1.562500000e-02, s24  }
0x21a: {  	v52 =	vld [tilespmem:s31+$0xFFFFFFC0];
	v3 =	vadd.f32 v42, v46;
	v57 =	vadd.f32 v1, v38;
	s16 =	smul.f32 s11, s10;
	s13 =	spop (v2sf)  }
0x21b: {  	v37 =	vadd.f32 v37, v5;
	v40 =	vadd.f32 v40, v6;
	v53 =	vld [tilespmem:s31+$0xFFFFFFE0];
	s26 =	smul.f32 s20, s8;
	s19 =	ssub.f32 s25, s28  }
0x21c: {  	[tilespmem:s1+$0x20] =	vst v51;
	v0 =	vadd.f32 v63, v48;
	v3 =	vadd.f32 v57, v3;
	v57 =	vld [tilespmem:s12+$0xFFFFFFE0];
	s11 =	smul.f32 $1.562500000e-02, s13  }
0x21d: {  	[tilespmem:s0+$0x40] =	vst v43;
	v63 =	vld [tilespmem:s31+$0xFFFFFFD0];
	v51 =	vmul.f32 v1, v1;
	v60 =	vadd.f32 v62, v61;
	v61 =	vmul.f32 v38, v38;
	s28 =	smul.f32 s26, s20;
	s19 =	smax.f32 s19, $0.0e+00  }
0x21e: {  	[tilespmem:s0+$0x50] =	vst v37;
	v59 =	vmul.f32 v42, v42;
	v58 =	vmul.f32 v46, v46;
	s10 =	smul.f32 s22, s18;
	v41 =	vsub.f32 v28, v49;
	v28 =	vld [tilespmem:s31+$0xFFFFFFB0];
	s13 =	sadd.f32 $9.999999960e-13, s19  }
0x21f: {  	[tilespmem:s0+$0x60] =	vst v40;
	v40 =	vmul.f32 v60, v60;
	v62 =	vadd.f32 v51, v61;
	v43 =	vsub.f32 v31, v49;
	v31 =	vld [tilespmem:s12+$0xFFFFFFD0];
	s22 =	smul.f32 s11, s11;
	s24 =	ssub.f32 $1.500000000e+00, s28  }
0x220: {  	(xrf2) =	vadd.scan.msk.f32 $0xffff, v3;
	v44 =	vsub.f32 v32, v49;
	v37 =	vmul.f32 s16, v26;
	v26 =	vadd.f32 v59, v58;
	s26 =	sshra.s32 s13, $0x1;
	s13 =	smul.f32 $5.000000000e-01, s13  }
0x221: {  	v61 =	vld [tilespmem:s12+$0xFFFFFFF0];
	v49 =	vsub.f32 v27, v49;
	v32 =	vadd.f32 v53, v57;
	v3 =	vmov s11;
	s25 =	spop (v2sf);
	s19 =	smul.f32 s24, s20  }
0x222: {  	[tilespmem:s1+$0x30] =	vst v54;
	v39 =	vmul.f32 s16, v25;
	v58 =	vadd.f32 v62, v26;
	v62 =	vld [tilespmem:s31+$0xFFFFFFF0];
	v54 =	vsub.f32 v21, v3;
	s11 =	smul.f32 $1.562500000e-02, s25  }
0x223: {  	v59 =	vmul.f32 v0, v0;
	v26 =	vsub.f32 v35, v3;
	v35 =	vld [tilespmem:s31+$0x0];
	v2 =	vadd.f32 v28, v56;
	s28 =	spop (v2sf);
	s8 =	smul.f32 s19, s8  }
0x224: {  	v45 =	vmul.f32 s16, v23;
	v28 =	vadd.f32 v52, v50;
	(xrf2) =	vadd.scan.msk.f32 $0xffff, v58;
	v31 =	vadd.f32 v63, v31;
	v23 =	vmovc v54;
	v54 =	vld [tilespmem:s12+$0x10];
	s20 =	smul.f32 $1.562500000e-02, s28  }
0x225: {  	v25 =	vsub.f32 v20, v3;
	v20 =	vmovc v60;
	v3 =	vsub.f32 v22, v3;
	v56 =	vld [tilespmem:s31+$0x10];
	v60 =	vmul.f32 v2, v2;
	s8 =	smul.f32 s8, s19  }
0x226: {  	v47 =	vadd.f32 v2, v0;
	v22 =	vmovc v2;
	v2 =	vld [tilespmem:s12+$0x0];
	v53 =	vadd.f32 v31, v28;
	v55 =	vmov s11;
	s11 =	smul.f32 s11, s11  }
0x227: {  	v63 =	vmul.f32 v28, v28;
	v27 =	vadd.f32 v62, v61;
	v48 =	vadd.f32 v60, v59;
	s24 =	spop (v2sf);
	s8 =	ssub.f32 $1.500000000e+00, s8  }
0x228: {  	v59 =	vmov s14;
	v51 =	vsub.f32 v30, v55;
	v30 =	vmul.f32 v31, v31;
	s24 =	smul.f32 $1.562500000e-02, s24  }
0x229: {  	v21 =	vmovc v0;
	v50 =	vmul.f32 v32, v32;
	v61 =	vld [tilespmem:s31+$0x30];
	s20 =	ssub.f32 s20, s22;
	v57 =	vsub.f32 v29, v55;
	v29 =	vsub.f32 v14, v59;
	s14 =	smul.f32 s8, s19  }
0x22a: {  	s18 =	ssub.s32 $0x5F3759DF, s26;
	v52, _, _ =	vpop (xrf2);
	v60 =	vmul.f32 s16, v24;
	v58 =	vsub.f32 v33, v55;
	v33 =	vld [tilespmem:s12+$0x20];
	v0 =	vadd.f32 v30, v63;
	s11 =	ssub.f32 s24, s11  }
0x22b: {  	s25 =	smul.f32 s18, s13;
	v24 =	vmovc v3;
	v30 =	vadd.f32 v35, v2;
	s24 =	smax.f32 s20, $0.0e+00;
	v35 =	vmul.f32 s14, v29;
	v29 =	vadd.f32 v56, v54;
	v56 =	vld [tilespmem:$0x1FFF0]  }
0x22c: {  	v3 =	vmul.f32 v27, v27;
	v62 =	vsub.f32 v9, v59;
	v14 =	vmovc v1;
	v1 =	vld [tilespmem:s31+$0x20];
	v55 =	vsub.f32 v34, v55;
	s8 =	sadd.f32 $9.999999960e-13, s24;
	s11 =	smax.f32 s11, $0.0e+00  }
0x22d: {  	v34 =	vadd.f32 v27, v32;
	(v2sf) =	vpush v52, $0xF;
	v2 =	vld [tilespmem:s12+$0x30];
	s19 =	smul.f32 s18, s25;
	s11 =	sadd.f32 $9.999999960e-13, s11  }
0x22e: {  	v36 =	vld [tilespmem:s31+$0xFFFFFF80];
	v3 =	vadd.f32 v3, v50;
	v63 =	vsub.f32 v11, v59;
	v11, _, _ =	vpop (xrf2);
	s26 =	sshra.s32 s8, $0x1;
	s8 =	smul.f32 $5.000000000e-01, s8  }
0x22f: {  	v9 =	vmov v46;
	v46 =	vld [tilespmem:s12+$0xFFFFFF80];
	v34 =	vadd.f32 v34, v53;
	(v2sf) =	vpush v11, $0xF;
	s20 =	ssub.s32 $0x5F3759DF, s26;
	s28 =	sshra.s32 s11, $0x1;
	s16 =	smul.f32 $5.000000000e-01, s11  }
0x230: {  	v0 =	vadd.f32 v3, v0;
	v3 =	vmul.f32 s10, v13;
	v13 =	vmovc v43;
	v43 =	vld [tilespmem:$0x1FFC0];
	s24 =	smul.f32 s20, s8;
	s22 =	ssub.s32 $0x5F3759DF, s28;
	v35 =	vmul.f32 v35, v56  }
0x231: {  	v50 =	vmul.f32 s10, v10;
	v52 =	vmul.f32 v30, v30;
	(xrf2) =	vadd.scan.msk.f32 $0xffff, v34;
	v33 =	vadd.f32 v1, v33;
	s25 =	smul.f32 s22, s16  }
0x232: {  	s1 =	smov.u32 s0;
	(xrf2) =	vadd.scan.msk.f32 $0xffff, v0;
	v0 =	vmul.f32 s10, v12;
	v34 =	vadd.f32 v61, v2;
	s11 =	smul.f32 s20, s24;
	v35 =	vadd.f32 v35, v7  }
0x233: {  	s0 =	sadd.s32 $0x100, s0;
	v11 =	vmov v42;
	s19 =	ssub.f32 $1.500000000e+00, s19;
	v61 =	vmul.f32 v33, v33;
	v54 =	vmul.f32 v29, v29;
	s24 =	smul.f32 s22, s25  }
0x234: {  	v42 =	vadd.f32 v29, v30;
	v53 =	vmul.f32 v34, v34;
	s28 =	smul.f32 s9, s2;
	s11 =	ssub.f32 $1.500000000e+00, s11;
	[tilespmem:s0+$0x70] =	vst v35;
	v35 =	vadd.f32 v36, v46  }
0x235: {  	s18 =	smul.f32 s18, s19;
	v37 =	vmul.f32 v37, v43;
	v1 =	vadd.f32 v54, v52;
	v54 =	vsub.f32 v8, v59;
	s26 =	ssub.f32 $1.500000000e+00, s24  }
0x236: {  	v12 =	vmovc v44;
	v2 =	vadd.f32 v53, v61;
	v44 =	vmul.f32 s28, v17;
	v17 =	vmovc v58;
	v58 =	vld [tilespmem:$0x1FFE0];
	s9 =	smul.f32 s20, s11;
	v59 =	vadd.f32 v20, v35  }
0x237: {  	v50 =	vmul.f32 v50, v43;
	v52 =	vadd.f32 v34, v33;
	v61 =	vmul.f32 s10, v16;
	s2 =	smul.f32 s22, s26  }
0x238: {  	v8 =	vmovc v38;
	v1 =	vadd.f32 v2, v1;
	v2 =	vmul.f32 s28, v19;
	v19 =	vmovc v57;
	v57 =	vld [tilespmem:$0x1FFD0];
	s20 =	smul.f32 s9, s8;
	v38 =	vadd.f32 v47, v59  }
0x239: {  	v16 =	vmov v49;
	v60 =	vmul.f32 v60, v56;
	v49 =	vmul.f32 s14, v54;
	s22 =	smul.f32 s18, s13  }
0x23a: {  	v36 =	vadd.f32 v52, v42;
	v42 =	vmul.f32 s28, v15;
	v46 =	vmul.f32 v35, v35;
	s19 =	smul.f32 s2, s16;
	(xrf2) =	vadd.scan.msk.f32 $0xffff, v38  }
0x23b: {  	v61 =	vmul.f32 v61, v56;
	v0 =	vmul.f32 v0, v58;
	s10 =	smul.f32 s20, s9  }
0x23c: {  	v10 =	vmovc v41;
	v41 =	vmul.f32 v42, v43;
	v42 =	vmul.f32 v44, v58;
	s11 =	smul.f32 s22, s18;
	v40 =	vadd.f32 v40, v46  }
0x23d: {  	v37 =	vadd.f32 v37, v4;
	s25 =	spop (v2sf);
	v39 =	vmul.f32 v39, v57;
	v3 =	vmul.f32 v3, v57;
	s19 =	smul.f32 s19, s2  }
0x23e: {  	s3 =	sadd.s32 $0x4, s3;
	v46 =	vmul.f32 s14, v62;
	s26 =	spop (v2sf);
	v40 =	vadd.f32 v48, v40;
	v48 =	vmul.f32 s14, v63;
	s14 =	smul.f32 $1.562500000e-02, s25  }
0x23f: {  	p0 =	slt.u32 s3, $0xC4;
	v47 =	vmul.f32 s28, v18;
	v59 =	vmul.f32 v45, v58;
	v45 =	vadd.f32 v0, v6;
	s10 =	ssub.f32 $1.500000000e+00, s10;
	s20 =	smul.f32 $1.562500000e-02, s26  }
.Ltmp1:
0x240: {  	v39 =	vadd.f32 v39, v5;
	v44 =	vadd.f32 v3, v5;
	v63, _, _ =	vpop (xrf2);
	v38 =	vmul.f32 v2, v57;
	(pc) =	sbr.rel @p0 .LBB2_5-.Ltmp1, $4  }
0x241: {  	[tilespmem:s1+$0xFFFFFF80] =	vst v37;
	v15 =	vmovc v51;
	s11 =	ssub.f32 $1.500000000e+00, s11;
	v43 =	vmul.f32 v46, v43;
	v46 =	vadd.f32 v50, v4;
	(v2sf) =	vpush v63, $0xF;
	s10 =	smul.f32 s10, s9  }
0x242: {  	(xrf2) =	vadd.scan.msk.f32 $0xffff, v36;
	v62, _, _ =	vpop (xrf2);
	v63 =	vadd.f32 v59, v6;
	v36 =	vmul.f32 v47, v56;
	s19 =	ssub.f32 $1.500000000e+00, s19;
	v47 =	vadd.f32 v60, v7;
	s28 =	smul.f32 s14, s14  }
0x243: {  	v18 =	vmovc v55;
	[tilespmem:s1+$0xFFFFFF90] =	vst v39;
	s18 =	smul.f32 s11, s18;
	v39 =	vadd.f32 v61, v7;
	(xrf2) =	vadd.scan.msk.f32 $0xffff, v40;
	(v2sf) =	vpush v62, $0xF  }
0x244: {  	s12 =	sadd.s32 $0x100, s12;
	v37 =	vmul.f32 v48, v57;
	v40 =	vmul.f32 v49, v58;
	(xrf2) =	vadd.scan.msk.f32 $0xffff, v1;
	s2 =	smul.f32 s19, s2;
	[tilespmem:s1+$0xFFFFFFA0] =	vst v63;
	s9 =	ssub.f32 s20, s28;
	v48, _, _ =	vpop (xrf2)  }
0x245: {  	_ = 	snop  }
0x246: {  	s8 =	smul.f32 s10, s8  }
0x247: {  	s24 =	smul.f32 s18, s13;
	s3 =	smax.f32 s9, $0.0e+00  }
0x248: {  	s11 =	smul.f32 s2, s16;
	s3 =	sadd.f32 $9.999999960e-13, s3  }
0x249: {  	s8 =	smul.f32 s8, s10  }
0x24a: {  	(v2sf) =	vpush v48, $0xF;
	s12 =	sshra.s32 s3, $0x1;
	s3 =	smul.f32 $5.000000000e-01, s3  }
0x24b: {  	s16 =	smul.f32 s11, s2;
	s12 =	ssub.s32 $0x5F3759DF, s12  }
0x24c: {  	s25 =	smul.f32 s12, s3  }
0x24d: {  	s9 =	smul.f32 s24, s18;
	s16 =	ssub.f32 $1.500000000e+00, s16;
	v0, _, _ =	vpop (xrf2)  }
0x24e: {  	(v2sf) =	vpush v0, $0xF;
	s13 =	smul.f32 s12, s25  }
0x24f: {  	s2 =	smul.f32 s16, s2;
	v48, _, _ =	vpop (xrf2)  }
0x250: {  	(v2sf) =	vpush v48, $0xF;
	s13 =	ssub.f32 $1.500000000e+00, s13;
	s26 =	spop (v2sf)  }
0x251: {  	s8 =	ssub.f32 $1.500000000e+00, s8;
	v49, _, _ =	vpop (xrf2);
	s19 =	smul.f32 $1.562500000e-02, s26  }
0x252: {  	s9 =	ssub.f32 $1.500000000e+00, s9;
	(v2sf) =	vpush v49, $0xF;
	s12 =	smul.f32 s12, s13  }
0x253: {  	s13 =	smul.f32 s8, s10  }
0x254: {  	s10 =	smul.f32 s9, s18  }
0x255: {  	s22 =	smul.f32 s12, s3  }
0x256: {  	s11 =	smul.f32 s19, s19  }
0x257: {  	s28 =	spop (v2sf);
	s31 =	smul.f32 s22, s12  }
0x258: {  	s20 =	smul.f32 $1.562500000e-02, s28  }
0x259: {  	s24 =	spop (v2sf);
	s8 =	ssub.f32 $1.500000000e+00, s31  }
0x25a: {  	s22 =	smul.f32 $1.562500000e-02, s24  }
0x25b: {  	s8 =	smul.f32 s8, s12  }
0x25c: {  	s11 =	ssub.f32 s20, s11;
	s25 =	smul.f32 s22, s22  }
0x25d: {  	[tilespmem:s1+$0xFFFFFFB0] =	vst v47;
	s3 =	smul.f32 s8, s3;
	s26 =	spop (v2sf)  }
0x25e: {  	[tilespmem:s1+$0xFFFFFFC0] =	vst v46;
	s11 =	smax.f32 s11, $0.0e+00;
	s18 =	smul.f32 $1.562500000e-02, s26  }
0x25f: {  	[tilespmem:s1+$0xFFFFFFD0] =	vst v44;
	s28 =	spop (v2sf);
	s3 =	smul.f32 s3, s8  }
0x260: {  	v50 =	vadd.f32 v41, v4;
	[tilespmem:s1+$0xFFFFFFE0] =	vst v45;
	s11 =	sadd.f32 $9.999999960e-13, s11;
	s12 =	smul.f32 $1.562500000e-02, s28  }
0x261: {  	v1 =	vadd.f32 v38, v5;
	[tilespmem:s1+$0xFFFFFFF0] =	vst v39;
	s31 =	smul.f32 s18, s18;
	s24 =	spop (v2sf)  }
0x262: {  	v2 =	vadd.f32 v42, v6;
	[tilespmem:s1+$0x0] =	vst v50;
	s24 =	smul.f32 $1.562500000e-02, s24;
	s12 =	ssub.f32 s12, s25  }
0x263: {  	v36 =	vadd.f32 v36, v7;
	[tilespmem:s1+$0x10] =	vst v1;
	s9 =	smul.f32 $5.000000000e-01, s11;
	s11 =	sshra.s32 s11, $0x1;
	s3 =	ssub.f32 $1.500000000e+00, s3  }
0x264: {  	v51 =	vadd.f32 v43, v4;
	[tilespmem:s1+$0x20] =	vst v2;
	s11 =	ssub.s32 $0x5F3759DF, s11;
	s20 =	ssub.f32 s24, s31;
	s12 =	smax.f32 s12, $0.0e+00  }
0x265: {  	v37 =	vadd.f32 v37, v5;
	[tilespmem:s1+$0x30] =	vst v36;
	s26 =	smul.f32 s11, s9;
	s24 =	sadd.f32 $9.999999960e-13, s12  }
0x266: {  	v40 =	vadd.f32 v40, v6;
	v36 =	vld [tilespmem:$0x1FFF0];
	[tilespmem:s0+$0x40] =	vst v51;
	s3 =	smul.f32 s3, s8  }
0x267: {  	v38 =	vld [tilespmem:$0x1FFC0];
	[tilespmem:s0+$0x50] =	vst v37;
	s20 =	smax.f32 s20, $0.0e+00;
	s25 =	sshra.s32 s24, $0x1;
	s12 =	smul.f32 $5.000000000e-01, s24  }
0x268: {  	v39 =	vld [tilespmem:$0x1FFD0];
	[tilespmem:s0+$0x60] =	vst v40;
	s24 =	smul.f32 s11, s26;
	s28 =	sadd.f32 $9.999999960e-13, s20;
	s20 =	ssub.s32 $0x5F3759DF, s25  }
0x269: {  	v40 =	vld [tilespmem:$0x1FFE0];
	s25 =	smul.f32 s20, s12  }
0x26a: {  	s26 =	sshra.s32 s28, $0x1;
	s8 =	smul.f32 $5.000000000e-01, s28  }
0x26b: {  	v15 =	vmul.f32 s2, v15;
	s31 =	ssub.f32 $1.500000000e+00, s24;
	s24 =	ssub.s32 $0x5F3759DF, s26;
	s25 =	smul.f32 s20, s25  }
0x26c: {  	v53 =	vmov s14;
	v45 =	vmul.f32 s2, v17;
	s26 =	smul.f32 s24, s8  }
0x26d: {  	v14 =	vsub.f32 v14, v53;
	v15 =	vmul.f32 v15, v38;
	s14 =	smul.f32 s11, s31  }
0x26e: {  	v9 =	vsub.f32 v9, v53;
	v11 =	vsub.f32 v11, v53;
	v47 =	vmul.f32 v45, v40;
	s28 =	ssub.f32 $1.500000000e+00, s25;
	s31 =	smul.f32 s24, s26  }
0x26f: {  	v8 =	vsub.f32 v8, v53;
	v44 =	vmul.f32 s2, v19;
	v48 =	vadd.f32 v15, v4;
	s25 =	smul.f32 s14, s9  }
0x270: {  	v49 =	vadd.f32 v47, v6;
	v26 =	vmul.f32 s13, v26;
	v25 =	vmul.f32 s13, v25;
	s11 =	smul.f32 s20, s28  }
0x271: {  	v3 =	vmov s19;
	v61 =	vmul.f32 s13, v23;
	v24 =	vmul.f32 s13, v24;
	s20 =	ssub.f32 $1.500000000e+00, s31;
	s13 =	smul.f32 s25, s14  }
0x272: {  	v10 =	vmul.f32 s10, v10;
	v13 =	vmul.f32 s10, v13;
	v52 =	vmov s22;
	s22 =	smul.f32 s11, s12  }
0x273: {  	v12 =	vmul.f32 s10, v12;
	v16 =	vmul.f32 s10, v16;
	v59 =	vmov s18;
	s18 =	smul.f32 s24, s20  }
0x274: {  	v54 =	vsub.f32 v28, v3;
	v28 =	vsub.f32 v31, v3;
	v26 =	vmul.f32 v26, v38;
	s13 =	ssub.f32 $1.500000000e+00, s13;
	s24 =	smul.f32 s22, s11  }
0x275: {  	v55 =	vsub.f32 v32, v3;
	v25 =	vmul.f32 v25, v39;
	v2 =	vmul.f32 v61, v40;
	s26 =	smul.f32 s18, s8  }
0x276: {  	v60 =	vsub.f32 v27, v3;
	v10 =	vmul.f32 v10, v38;
	v13 =	vmul.f32 v13, v39;
	s20 =	smul.f32 s13, s14  }
0x277: {  	[tilespmem:s0+$0x0] =	vst v48;
	v12 =	vmul.f32 v12, v40;
	v26 =	vadd.f32 v26, v4;
	v42 =	vadd.f32 v25, v5;
	s28 =	ssub.f32 $1.500000000e+00, s24;
	s16 =	smul.f32 s26, s18  }
0x278: {  	[tilespmem:s0+$0x20] =	vst v49;
	v16 =	vmul.f32 v16, v36;
	v2 =	vadd.f32 v2, v6;
	v10 =	vadd.f32 v10, v4;
	s9 =	smul.f32 s20, s9  }
0x279: {  	v46 =	vmul.f32 s2, v18;
	v13 =	vadd.f32 v13, v5;
	v12 =	vadd.f32 v12, v6;
	[tilespmem:s0+$0xFFFFFF80] =	vst v26;
	s11 =	smul.f32 s28, s11  }
0x27a: {  	v41 =	vmul.f32 v24, v36;
	v16 =	vadd.f32 v16, v7;
	v56 =	vsub.f32 v35, v52;
	[tilespmem:s0+$0xFFFFFFA0] =	vst v2;
	s9 =	smul.f32 s9, s20  }
0x27b: {  	v20 =	vsub.f32 v20, v52;
	[tilespmem:s0+$0xFFFFFFC0] =	vst v10;
	v2 =	vmul.f32 v44, v39;
	v10 =	vmul.f32 v46, v36;
	s19 =	smul.f32 s11, s12  }
0x27c: {  	v57 =	vsub.f32 v21, v52;
	v58 =	vsub.f32 v22, v52;
	[tilespmem:s0+$0xFFFFFF90] =	vst v42;
	v8 =	vmul.f32 s3, v8;
	s22 =	ssub.f32 $1.500000000e+00, s16  }
0x27d: {  	[tilespmem:s0+$0xFFFFFFD0] =	vst v13;
	v2 =	vadd.f32 v2, v5;
	v10 =	vadd.f32 v10, v7;
	v11 =	vmul.f32 s3, v11;
	s26 =	ssub.f32 $1.500000000e+00, s9;
	s10 =	smul.f32 s19, s11  }
0x27e: {  	[tilespmem:s0+$0xFFFFFFE0] =	vst v12;
	v3 =	vsub.f32 v30, v59;
	v14 =	vmul.f32 s3, v14;
	v8 =	vmul.f32 v8, v40;
	s24 =	smul.f32 s22, s18  }
0x27f: {  	[tilespmem:s0+$0xFFFFFFF0] =	vst v16;
	v62 =	vsub.f32 v29, v59;
	v9 =	vmul.f32 s3, v9;
	v11 =	vmul.f32 v11, v39;
	s28 =	smul.f32 s26, s20;
	s10 =	ssub.f32 $1.500000000e+00, s10  }
0x280: {  	[tilespmem:s0+$0x10] =	vst v2;
	v63 =	vsub.f32 v33, v59;
	v14 =	vmul.f32 v14, v36;
	v8 =	vadd.f32 v8, v6;
	s25 =	smul.f32 s24, s8  }
0x281: {  	[tilespmem:s0+$0x30] =	vst v10;
	v9 =	vmul.f32 v9, v38;
	v11 =	vadd.f32 v11, v5;
	s31 =	sadd.s32 $0x100, s0;
	v54 =	vmul.f32 s28, v54;
	s10 =	smul.f32 s10, s11  }
0x282: {  	v14 =	vadd.f32 v14, v7;
	[tilespmem:s31+$0x60] =	vst v8;
	v8 =	vmul.f32 s28, v28;
	v1 =	vmul.f32 s28, v60  }
0x283: {  	v9 =	vadd.f32 v9, v4;
	[tilespmem:s31+$0x50] =	vst v11;
	s3 =	smul.f32 s25, s24;
	v11 =	vmul.f32 v54, v38;
	v50 =	vmul.f32 s10, v56  }
0x284: {  	[tilespmem:s31+$0x70] =	vst v14;
	v14 =	vadd.f32 v41, v7;
	v1 =	vmul.f32 v1, v36;
	v51 =	vmul.f32 s10, v20  }
0x285: {  	[tilespmem:s31+$0x40] =	vst v9;
	s3 =	ssub.f32 $1.500000000e+00, s3;
	v52 =	vmul.f32 s10, v58;
	v58 =	vadd.f32 v11, v4;
	v2 =	vmul.f32 v50, v38  }
0x286: {  	[tilespmem:s0+$0xFFFFFFB0] =	vst v14;
	v0 =	vmul.f32 s10, v57;
	v1 =	vadd.f32 v1, v7;
	v53 =	vmul.f32 v51, v39  }
0x287: {  	v55 =	vmul.f32 s28, v55;
	s2 =	smul.f32 s3, s24;
	v9 =	vmul.f32 v52, v36;
	[tilespmem:s31+$0xFFFFFFC0] =	vst v58;
	v2 =	vadd.f32 v2, v4  }
0x288: {  	v56 =	vmul.f32 v8, v39;
	v0 =	vmul.f32 v0, v40;
	[tilespmem:s31+$0xFFFFFFF0] =	vst v1;
	v10 =	vadd.f32 v53, v5  }
0x289: {  	v57 =	vmul.f32 v55, v40;
	v3 =	vmul.f32 s2, v3;
	v8 =	vadd.f32 v9, v7;
	[tilespmem:s31+$0xFFFFFF80] =	vst v2  }
0x28a: {  	v22 =	vsub.f32 v34, v59;
	v59 =	vmul.f32 s2, v62;
	v0 =	vadd.f32 v0, v6;
	[tilespmem:s31+$0xFFFFFF90] =	vst v10  }
0x28b: {  	v3 =	vmul.f32 v3, v38;
	v9 =	vadd.f32 v57, v6;
	[tilespmem:s31+$0xFFFFFFB0] =	vst v8;
	v8 =	vmul.f32 s2, v63  }
0x28c: {  	v60 =	vmul.f32 s2, v22;
	[tilespmem:s31+$0xFFFFFFA0] =	vst v0;
	v2 =	vadd.f32 v56, v5;
	v0 =	vmul.f32 v59, v39  }
0x28d: {  	s29 =	sadd.s32 $0x1, s29;
	v3 =	vadd.f32 v3, v4;
	[tilespmem:s31+$0xFFFFFFE0] =	vst v9;
	v61 =	vmul.f32 v8, v40  }
0x28e: {  	p0 =	sne.s32 s29, $0x40;
	[tilespmem:s31+$0xFFFFFFD0] =	vst v2;
	v8 =	vmul.f32 v60, v36;
	v0 =	vadd.f32 v0, v5  }
.Ltmp2:
0x28f: {  	s30 =	sadd.s32 s6, s30;
	[tilespmem:s31+$0x0] =	vst v3;
	v62 =	vadd.f32 v61, v6;
	(pc) =	sbr.rel @p0 .LBB2_2-.Ltmp2, $4  }
0x290: {  	s0 =	smul.u32 $0x640, s30;
	v63 =	vadd.f32 v8, v7;
	[tilespmem:s31+$0x10] =	vst v0  }
0x291: {  	[tilespmem:s31+$0x20] =	vst v62  }
0x292: {  	s0 =	sadd.s32 s4, s0;
	[tilespmem:s31+$0x30] =	vst v63;
	s31 =	simm.s32 $0x12C00  }
0x293: {  	[hbm4b:s0+s5] =	stream.linear.scatter [tilespmem:s31], [sflag:$0x4], $0x3200, $0x38;
	[tilespmem:$0x15E80] =	vst v63  }
0x294: {  	s0 =	simm.s32 $0x3  }
0x295: {  	_ =	swait.ge [sflag:s0], $0x3200  }
0x296: {  	[sflag:s0] =	ssyncset.done $0x0  }
0x297: {  	s1 =	simm.s32 $0x4;
	[sflag:s0] =	ssyncadd.s32 $0xFFFFCE00  }
0x298: {  	_ =	swait.ge [sflag:s1], $0x3200  }
0x299: {  	s2 =	rddreg [dreg:$0x8]  }
0x29a: {  	s31 =	rddreg [dreg:$0x7];
	s2 =	sadd.s32 $0x1, s2  }
0x29b: {  	p0 =	sne.s32 s2, s31  }
.Ltmp3:
0x29c: {  	_ = 	snop;
	(pc) =	sbr.rel @p0 .LBB2_1-.Ltmp3, $3  }
0x29d: {  	_ =	sdelay $0x1  }
0x29e: {  	[sflag:s1] =	ssyncset.done $0x0  }
0x29f: {  	[sflag:s1] =	ssyncadd.s32 $0xFFFFCE00  }
0x2a0: {  	_ =	sfence.sel $0x180000  }
0x2a1: {  	[bflag:$0x0] =	sbarrier.arrive $0xFFFF  }
0x2a2: {  	_ =	strace $0x90000047  }
0x2a3: {  	s0 =	stileid.u32;
	[bflag:$0x2] =	sbarrier.arrive $0xFFFF  }
0x2a4: {  	p0 =	sne.s32 s0, $0x0;
	s0 =	rddreg [dreg:$0x4]  }
0x2a5: {  	s0 =	sadd.s32 @!p0 $0x100000, s0  }
0x2a6: {  	[sflag:s0] =	ssyncadd.tile.s32 @!p0 $0x1;
	_ =	shalt  }
.Lfunc_end2:
_tile_overlayer_lowered:
.L_overlay_start_2:
0x2a7: {  	(tag) =	ssettag $0x2  }
0x2a8: {  	s0 =	rddreg [dreg:$0x0];
	s2 =	stileid.u32  }
0x2a9: {  	s1 =	rddreg [dreg:$0x1];
	p0 =	sne.s32 s2, $0x0  }
0x2aa: {  	s3 =	rddreg [dreg:$0x2];
	[bflag:$0x3] =	sbarrier.arrive $0xFFFF;
	s2 =	simm.s32 @!p0 $0x1C05  }
0x2ab: {  	[timem:s3], [sflag:s2] =	dma.local @!p0 [hbm:s0], s1  }
0x2ac: {  	s0 =	simm.s32 @!p0 $0x5  }
0x2ad: {  	_ =	swait.ge @!p0 [sflag:s0], s1  }
0x2ae: {  	s1 =	ssub.s32 @!p0 $0x0, s1;
	[sflag:s0] =	ssyncset.done @!p0 $0x0  }
0x2af: {  	[sflag:s0] =	ssyncadd.s32 @!p0 s1  }
0x2b0: {  	[bflag:$0x3] =	sbarrier.arrive $0xFFFF  }
0x2b1: {  	_ =	shalt  }

// kernel: sparse-core-data-format-call.cloned.1.call-start
scs
called_computation_lowered:
.L_overlay_start_0:
0x0: {  	s2 =	sld [smem:$0x3FD9]  }
0x1: {  	s3 =	sld [smem:$0x3FFE];
	_ =	sdelay $0x1  }
0x2: {  	s1 =	srdreg.scid  }
0x3: {  	s0 =	sand.u32 $0x1, s1  }
0x4: {  	s18 =	sshll.u32 s0, $0xA;
	s2 =	sadd.s32 s3, s2  }
0x5: {  	s2 =	sadd.s32 s2, s18  }
0x6: {  	[smem:$0x3FC3] =	sst s2  }
0x7: {  	_ = 	snop  }
0x8: {  	s2 =	sld [smem:$0x3FD0];
	(tm) =	ssettm $0x1  }
0x9: {  	s19 =	sld [smem:$0x3FFB];
	_ =	sdelay $0x3  }
0xa: {  	_ =	strace s19  }
0xb: {  	s3 =	sld [smem:$0x3FFC];
	_ =	sdelay $0x3  }
0xc: {  	_ =	strace s3  }
0xd: {  	s3 =	sld [smem:$0x3FFD];
	_ =	sdelay $0x3  }
0xe: {  	_ =	strace s3  }
0xf: {  	_ =	strace $0x8FFFFFFF  }
0x10: {  	s20 =	sld [smem:$0x3FDB];
	_ =	sdelay $0x1  }
0x11: {  	s4 =	simm.s32 $_scs_section_size  }
0x12: {  	s5 =	simm.s32 $_size__tile_overlayer_lowered;
	s6 =	simm.s32 $_tile_overlayer_lowered  }
0x13: {  	s23 =	simm.s32 $0x1BFF;
	s22 =	sshll.u32 s6, $0x1;
	s3 =	sadd.s32 s4, s20  }
0x14: {  	s7 =	simm.s32 $0x0;
	s21 =	sshll.u32 s5, $0x1;
	s5 =	sadd.s32 s22, s3  }
0x15: {  	[timem:s7], [sflag:s23] =	dma.local [hbm:s5], s21  }
0x16: {  	_ =	swait.ge [sflag:s23], s21  }
0x17: {  	s4 =	ssub.s32 $0x0, s21;
	[sflag:s23] =	ssyncset.done $0x0  }
0x18: {  	[sflag:s23] =	ssyncadd.s32 s4;
	_ =	sdelay $0x1  }
0x19: {  	s24 =	simm.s32 $0x1B8B  }
0x1a: {  	_ =	swait.ge [sflag:s24], $0x1  }
0x1b: {  	[sflag:s24] =	ssyncset.done $0x0  }
0x1c: {  	s26 =	simm.s32 $0x1B8E;
	s25 =	sld [smem:$0x3FFE];
	[sflag:s24] =	ssyncadd.s32 $0xFFFFFFFF  }
0x1d: {  	s27 =	simm.s32 $execute0_lowered;
	[smem:$0x3FD2] =	sst s26  }
0x1e: {  	s5 =	sshll.u32 s27, $0x1;
	_ =	strace $0x80000049;
	[dreg:$0x1] =	wrdreg $0xFFFFFFFF  }
0x1f: {  	s28 =	simm.s32 $_size_execute0_lowered;
	s3 =	sadd.s32 s3, s5;
	[dreg:$0x0] =	wrdreg $0x0  }
0x20: {  	s5 =	sshll.u32 s28, $0x1;
	[dreg:$0x2] =	wrdreg s3  }
0x21: {  	[dreg:$0x3] =	wrdreg s5  }
0x22: {  	[dreg:$0x4] =	wrdreg $0xC0  }
0x23: {  	_ =	task [dreg:s7], $0x5FFFF  }
0x24: {  	[dreg:$0x1] =	wrdreg $0xFFFFFFFF  }
0x25: {  	[dreg:$0x0] =	wrdreg $0x60  }
0x26: {  	[dreg:$0x2] =	wrdreg s25  }
0x27: {  	[dreg:$0x3] =	wrdreg s2  }
0x28: {  	[dreg:$0x4] =	wrdreg $0x9  }
0x29: {  	_ =	task.clear_ibuf [dreg:s7], $0x5FFFF;
	_ =	strace $0x90000049  }
0x2a: {  	s29 =	simm.s32 $0x9;
	_ =	strace $0x8000004B  }
0x2b: {  	_ =	swait.ge [sflag:s29], $0x1  }
0x2c: {  	[sflag:s29] =	ssyncadd.s32 $0xFFFFFFFF  }
0x2d: {  	_ =	strace $0x9000004B  }
0x2e: {  	_ =	sfence  }
0x2f: {  	s30 =	sld [smem:$0x0];
	_ =	sdelay $0x2  }
0x30: {  	s31 =	sshll.u32 s1, $0xD;
	s1 =	sshrl.u32 s1, $0x2  }
0x31: {  	s3 =	sand.u32 $0x4000, s31;
	s1 =	sadd.s32 s1, s30  }
0x32: {  	s0 =	sor.u32 s3, s0;
	s1 =	sshll.u32 s1, $0x11  }
0x33: {  	s0 =	sor.u32 s1, s0  }
0x34: {  	s0 =	sadd.s32 $0x8F2B, s0  }
0x35: {  	[sflag:s0] =	ssyncadd.remote.s32 $0x1  }
0x36: {  	_ =	sfence.sel $0xFFFF  }
0x37: {  	[dreg:$0x0] =	wrdreg $0xFFFFFFFF;
	(pc) =	sbr.abs _section_cstart, $3  }
0x38: {  	[dreg:$0x1] =	wrdreg $0xFFFFFFFF  }
0x39: {  	_ =	task.clear_ibuf [dreg:s7], $0x2FFFF;
	_ =	strace $0x9FFFFFFF  }
0x3a: {  	(tm) =	ssettm $0x7FFFFFFF  }
0x3b: {  	_ =	shalt  }
tec
execute0_lowered:
.L_overlay_start_1:
0x0: {  	(tag) =	ssettag $0x1  }
0x1: {  	s0 =	srdreg.scid  }
0x2: {  	s1 =	sshll.u32 s0, $0x4  }
0x3: {  	s0 =	stileid.u32;
	s1 =	sand.u32 $0x10, s1  }
0x4: {  	s1 =	sor.u32 s0, s1  }
0x5: {  	s6 =	rddreg [dreg:$0x0];
	s4 =	simm.s32 $0x1;
	s2 =	sshll.u32 s1, $0x7  }
0x6: {  	s7 =	simm.s32 $0x2;
	s12 =	simm.s32 $0x0;
	s1 =	ssub.s32 $0x1000, s2  }
0x7: {  	s8 =	simm.s32 $0x8000;
	s13 =	simm.s32 $0x0;
	s3 =	sand.u32 $0xF80, s1  }
0x8: {  	s9 =	simm.s32 $0x0;
	s5 =	sshrl.u32 s1, $0xC;
	p0 =	sne.s32 s3, $0x0  }
.Ltmp0:
0x9: {  	s1 =	rddreg [dreg:$0x2];
	s4 =	simm.s32 @!p0 $0x0;
	(pc) =	sbr.rel .LBB1_1-.Ltmp0, $4  }
0xa: {  	s11 =	simm.s32 $0x0;
	s3 =	rddreg [dreg:$0x1];
	s5 =	sadd.s32 s4, s5  }
0xb: {  	_ =	strace $0x8000004A;
	s4 =	simm.s32 $0x1;
	s5 =	smul.u32 $0xC8, s5  }
0xc: {  	s6 =	sadd.s32 $0x800, s6;
	s10 =	smov.u32 s2;
	[sflag:s4] =	ssyncpa.u1 $0x0  }
0xd: {  	p0 =	por $0x0, $0x0;
	[sflag:s7] =	ssyncpa.u1 $0x0;
	s7 =	sor.u32 $0x1, s5  }
.LBB1_4:
0xe: {  	s16 =	sshll.u32 s13, $0x3;
	s17 =	sand.u32 $0x78, s13  }
0xf: {  	s30 =	sand.u32 $0x7E00, s13;
	s12 =	sshll.u32 s12, $0xF;
	s16 =	sand.u32 $0xC00, s16  }
0x10: {  	[tilespmem:s15+$0x810 ss:$0x81] =	vst.msk $0xffff, v2;
	s31 =	sand.u32 $0x7, s13;
	s16 =	sor.u32 s17, s16;
	s17 =	sadd.s32 s3, s30  }
0x11: {  	[tilespmem:s15+$0x1020 ss:$0x81] =	vst.msk $0xffff, v0;
	s13 =	sshll.u32 s31, $0x12;
	s12 =	sadd.s32 s12, s17;
	s16 =	sshrl.u32 s16, $0x3  }
0x12: {  	[tilespmem:s15+$0x0 ss:$0x81] =	vst.msk $0xffff, v1;
	s13 =	sor.u32 $0x400, s13;
	s12 =	sadd.s32 s16, s12  }
0x13: {  	[hbm4b:s12+s13] =	stream.strided.scatter [tilespmem:s14], [sflag:$0x2], $0x2000, s8, s13, $0x20;
	[tilespmem:$0x8080] =	vst v63  }
.LBB1_5:
0x14: {  	s14 =	sadd.s32 $0x1, s9  }
0x15: {  	s12 =	sadd.s32 $0x1000, s10;
	s16 =	smov.u32 s10;
	p2 =	sgt.s32 s14, $0xC7  }
0x16: {  	s16 =	smov.u32 @p2 s12  }
0x17: {  	s14 =	simm.s32 @p2 $0x0;
	p2 =	sgt.s32 s16, $0xFFF  }
0x18: {  	s16 =	smov.u32 @p2 s2;
	p2 =	sne.s32 s11, s7  }
.Ltmp1:
0x19: {  	p1 =	slt.u32 s11, $0x2;
	(pc) =	sbr.rel @!p2 .LBB1_6-.Ltmp1, $4  }
0x1a: {  	s15 =	simm.s32 @!p1 $0x2  }
0x1b: {  	s13 =	smov.u32 s10;
	p0 =	por !p0, !p0;
	_ =	swait.ge @!p1 [sflag:s15], $0x2000  }
0x1c: {  	s12 =	smov.u32 s9;
	[sflag:s15] =	ssyncset.done @!p1 $0x0;
	s9 =	smov.u32 s14  }
0x1d: {  	s11 =	sadd.s32 $0x1, s11;
	[sflag:s15] =	ssyncadd.s32 @!p1 $0xFFFFE000;
	s10 =	smov.u32 s16  }
.LBB1_1:
0x1e: {  	p1 =	sge.u32 s11, s5  }
0x1f: {  	s14 =	sand.u32 @!p1 $0x1FFFFFF, s9  }
0x20: {  	s15 =	smulhi.u32 @!p1 $0x147AE15, s14;
	_ =	sdelay $0x1  }
0x21: {  	s15 =	smul.u32 @!p1 $0xC8, s15  }
0x22: {  	s16 =	sxor.u32 @!p1 $0xFFFFFFFF, s11;
	s17 =	smul.u32 @!p1 $0xC80, s10  }
0x23: {  	s31 =	sadd.s32 $0xFFFFFFFF, s11;
	s16 =	sshll.u32 @!p1 s16, $0xD;
	s14 =	ssub.s32 @!p1 s14, s15  }
0x24: {  	s15 =	sand.u32 @!p1 $0x2000, s16;
	s16 =	sadd.s32 @!p1 s6, s17;
	s14 =	sshll.u32 @!p1 s14, $0x4  }
0x25: {  	s17 =	simm.s32 @!p1 $0x6400;
	s14 =	sadd.s32 @!p1 s14, s16;
	s16 =	simm.s32 @!p1 $0x40  }
0x26: {  	[tilespmem:s15], [sflag:$0x1] =	stream.strided.gather @!p1 [hbm4b:s14+s16], $0x2000, s17, s16, $0x38;
	[tilespmem:$0x8080] =	vst v63  }
0x27: {  	p1 =	sge.u32 s31, s5  }
.Ltmp2:
0x28: {  	_ = 	snop;
	(pc) =	sbr.rel @p1 .LBB1_5-.Ltmp2, $1  }
0x29: {  	_ =	sdelay $0x3  }
0x2a: {  	s14 =	simm.s32 $0x1  }
0x2b: {  	_ =	swait.ge [sflag:s4], $0x2000;
	s14 =	simm.s32 @!p0 $0x0  }
0x2c: {  	[sflag:s4] =	ssyncset.done $0x0;
	s15 =	sshll.u32 s14, $0xD  }
0x2d: {  	[sflag:s4] =	ssyncadd.s32 $0xFFFFE000;
	s18 =	sor.u32 $0x20, s15  }
0x2e: {  	s14 =	smul.u32 $0x8100, s14;
	v3 =	vld [tilespmem:s18+$0x10]  }
0x2f: {  	s30 =	sand.u32 $0x1, s11;
	v2 =	vld [tilespmem:s18+$0xFFFFFFF0]  }
0x30: {  	s15 =	smul.u32 $0x8100, s30;
	s14 =	sshrl.u32 s14, $0x2;
	v0 =	vld [tilespmem:s18+$0x0]  }
0x31: {  	v1 =	vld [tilespmem:s18+$0xFFFFFFE0];
	s16 =	sor.u32 $0x4000, s14  }
0x32: {  	s31 =	sshrl.u32 s15, $0x2;
	s15 =	sadd.s32 $0x0, s16  }
0x33: {  	s17 =	simm.s32 $0x4;
	s18 =	sadd.s32 $0x40, s18;
	s14 =	sor.u32 $0x4000, s31;
	[tilespmem:s15+$0x1830 ss:$0x81] =	vst.msk $0xffff, v3  }
.LBB1_3:
0x34: {  	v3 =	vld [tilespmem:s18+$0x10];
	p1 =	sne.s32 s17, $0x1FC;
	[tilespmem:s15+$0x810 ss:$0x81] =	vst.msk $0xffff, v2;
	s19 =	smov.u32 s17;
	s17 =	sadd.s32 $0x4, s17  }
.Ltmp3:
0x35: {  	v2 =	vld [tilespmem:s18+$0xFFFFFFF0];
	[tilespmem:s15+$0x1020 ss:$0x81] =	vst.msk $0xffff, v0;
	(pc) =	sbr.rel @p1 .LBB1_3-.Ltmp3, $4  }
0x36: {  	v0 =	vld [tilespmem:s18+$0x0];
	[tilespmem:s15+$0x0 ss:$0x81] =	vst.msk $0xffff, v1  }
0x37: {  	s15 =	sshra.s32 s19, $0x2;
	v1 =	vld [tilespmem:s18+$0xFFFFFFE0]  }
0x38: {  	s15 =	sadd.s32 s15, s16  }
0x39: {  	s18 =	sadd.s32 $0x40, s18;
	[tilespmem:s15+$0x1830 ss:$0x81] =	vst.msk $0xffff, v3  }
.Ltmp4:
0x3a: {  	_ = 	snop;
	(pc) =	sbr.rel .LBB1_4-.Ltmp4, $1  }
0x3b: {  	_ =	sdelay $0x3  }
.LBB1_6:
0x3c: {  	_ =	sfence.sel $0x180000  }
0x3d: {  	s2 =	simm.s32 $0x1;
	[bflag:$0x0] =	sbarrier.arrive $0xFFFF  }
0x3e: {  	s31 =	simm.s32 $0x2;
	[sflag:s2] =	ssyncpa.u1 $0x1  }
0x3f: {  	[sflag:s31] =	ssyncpa.u1 $0x1  }
0x40: {  	p0 =	sne.s32 s0, $0x0;
	_ =	strace $0x9000004A  }
0x41: {  	s0 =	sadd.s32 @!p0 $0x100000, s1;
	[bflag:$0x2] =	sbarrier.arrive $0xFFFF  }
0x42: {  	[sflag:s0] =	ssyncadd.tile.s32 @!p0 $0x1;
	_ =	shalt  }
.Lfunc_end1:
_tile_overlayer_lowered:
.L_overlay_start_2:
0x43: {  	(tag) =	ssettag $0x2  }
0x44: {  	s0 =	rddreg [dreg:$0x0];
	s2 =	stileid.u32  }
0x45: {  	s1 =	rddreg [dreg:$0x1];
	p0 =	sne.s32 s2, $0x0  }
0x46: {  	s3 =	rddreg [dreg:$0x2];
	[bflag:$0x3] =	sbarrier.arrive $0xFFFF;
	s2 =	simm.s32 @!p0 $0x1C01  }
0x47: {  	[timem:s3], [sflag:s2] =	dma.local @!p0 [hbm:s0], s1  }
0x48: {  	s0 =	simm.s32 @!p0 $0x1  }
0x49: {  	_ =	swait.ge @!p0 [sflag:s0], s1  }
0x4a: {  	s1 =	ssub.s32 @!p0 $0x0, s1;
	[sflag:s0] =	ssyncset.done @!p0 $0x0  }
0x4b: {  	[sflag:s0] =	ssyncadd.s32 @!p0 s1  }
0x4c: {  	[bflag:$0x3] =	sbarrier.arrive $0xFFFF  }
0x4d: {  	_ =	shalt  }

</sc_bundles>
